<compile_context>
chip_gen: v7x
topology: tpu7x:2x2x1
jax: 0.10.2.dev20260603
libtpu: 0.0.44.dev20260713+nightly
codegen_flags: <defaults>
</compile_context>

<pallas_src>
import jax
import jax.numpy as jnp
from jax import lax
from jax.experimental import pallas as pl
from jax.experimental.pallas import tpu as pltpu
from jax.experimental.pallas import tpu_sc as plsc

VOCAB_SIZE = 1000
NUM_CORES = 2
NUM_SUBCORES = 16
NUM_WORKERS = NUM_CORES * NUM_SUBCORES
LANES = 16

TOTAL_ROWS = 4096 * 20
ROWS_PER_WORKER = TOTAL_ROWS // NUM_WORKERS
CHUNK_ROWS = 2
CHUNK_ELEMS = CHUNK_ROWS * VOCAB_SIZE
NUM_CHUNKS = ROWS_PER_WORKER // CHUNK_ROWS
NBUF = 8


def _sc_onehot(tok_hbm, out_hbm, *scratch):
    bufs = scratch[:NBUF]
    idx_v = scratch[NBUF]
    sems = scratch[NBUF + 1:]
    wid = lax.axis_index("s") * NUM_CORES + lax.axis_index("c")
    flat_base = wid * ROWS_PER_WORKER * VOCAB_SIZE
    tok_base = wid * ROWS_PER_WORKER
    pltpu.sync_copy(
        tok_hbm.at[pl.ds(tok_base, ROWS_PER_WORKER)],
        idx_v.at[pl.ds(0, ROWS_PER_WORKER)],
    )

    zeros16 = jnp.zeros((LANES,), jnp.float32)
    iota16 = lax.iota(jnp.int32, LANES)

    def zinit(i, _):
        for buf in bufs:
            buf[pl.ds(i * LANES, LANES)] = zeros16
        return 0

    lax.fori_loop(0, CHUNK_ELEMS // LANES, zinit, 0)

    def toks(g):
        return [
            idx_v[pl.ds(g * CHUNK_ROWS + k * LANES, LANES)]
            for k in range((CHUNK_ROWS + LANES - 1) // LANES)
        ]

    def marks(buf, g, value):
        tvs = toks(g)
        for r in range(CHUNK_ROWS):
            tok = tvs[r // LANES][r % LANES]
            p = r * VOCAB_SIZE + tok
            q = (p >> 4) << 4
            lane = p - q
            vec = buf[pl.ds(q, LANES)]
            vec = jnp.where(iota16 == lane, jnp.float32(value), vec)
            buf[pl.ds(q, LANES)] = vec

    def clear(buf, g):
        tvs = toks(g)
        for r in range(CHUNK_ROWS):
            tok = tvs[r // LANES][r % LANES]
            p = r * VOCAB_SIZE + tok
            q = (p >> 4) << 4
            buf[pl.ds(q, LANES)] = zeros16

    def dma(buf, sem, g):
        dst = out_hbm.at[pl.ds(flat_base + g * CHUNK_ELEMS, CHUNK_ELEMS)]
        return pltpu.make_async_copy(buf, dst, sem)

    for b in range(NBUF):
        marks(bufs[b], b, 1.0)
        dma(bufs[b], sems[b], b).start()

    def body(i, _):
        for b in range(NBUF):
            g = NBUF * i + b
            dma(bufs[b], sems[b], g - NBUF).wait()
            clear(bufs[b], g - NBUF)
            marks(bufs[b], g, 1.0)
            dma(bufs[b], sems[b], g).start()
        return 0

    lax.fori_loop(1, NUM_CHUNKS // NBUF, body, 0)

    for b in range(NBUF):
        dma(bufs[b], sems[b], NUM_CHUNKS - NBUF + b).wait()


_sc_kernel = pl.kernel(
    _sc_onehot,
    mesh=plsc.VectorSubcoreMesh(core_axis_name="c", subcore_axis_name="s"),
    out_type=jax.ShapeDtypeStruct((TOTAL_ROWS * VOCAB_SIZE,), jnp.float32),
    scratch_types=(
        [pltpu.VMEM((CHUNK_ELEMS,), jnp.float32) for _ in range(NBUF)]
        + [pltpu.VMEM((ROWS_PER_WORKER + LANES,), jnp.int32)]
        + [pltpu.SemaphoreType.DMA for _ in range(NBUF)]
    ),
)


def kernel(tokens, table):
    del table
    flat = _sc_kernel(tokens.reshape(-1))
    return flat.reshape(tokens.shape[0], tokens.shape[1], VOCAB_SIZE)

# --- scband reference (transcript-rebuilt; emitter-appended) ---
"""Pipeline reference for scband-one-hot-code-embedder-23871428232008 (READ-ONLY COPY).

The authoritative reference and input builder live on the scoring server;
editing this copy changes nothing except your own understanding.
"""

import jax, jax.numpy as jnp
import numpy as np

VOCAB = 1000
PADDING_IDX = 0


def setup_inputs(seed: int = 0) -> dict:
    key = jax.random.key(seed)
    k1, = jax.random.split(key, 1)
    tokens = jax.random.randint(k1, (4096, 20), 0, VOCAB, dtype=jnp.int64 if jax.config.jax_enable_x64 else jnp.int32)
    # Learned (frozen) parameter: embedding table initialized to identity, per the module.
    table = jnp.eye(VOCAB, dtype=jnp.float32)
    return {"tokens": tokens, "table": table}


def reference(tokens, table):
    # nn.Embedding lookup: gather rows of the (identity) table.
    return jnp.take(table, tokens, axis=0)

if __name__ == "__main__":
    import jax
    _d = setup_inputs()
    print(jax.jit(kernel)(*tuple(_d.values())))

</pallas_src>

<mosaic_0001>
#map = affine_map<(d0, d1) -> (0)>
module attributes {stable_mosaic.version = 14 : i64} {
  func.func @_sc_onehot(%arg0: i32, %arg1: i32, %arg2: memref<81920xi32, #tpu.memory_space<hbm>>, %arg3: memref<81920000xf32, #tpu.memory_space<hbm>>, %arg4: memref<2000xf32, #tpu.memory_space<vmem>>, %arg5: memref<2000xf32, #tpu.memory_space<vmem>>, %arg6: memref<2000xf32, #tpu.memory_space<vmem>>, %arg7: memref<2000xf32, #tpu.memory_space<vmem>>, %arg8: memref<2000xf32, #tpu.memory_space<vmem>>, %arg9: memref<2000xf32, #tpu.memory_space<vmem>>, %arg10: memref<2000xf32, #tpu.memory_space<vmem>>, %arg11: memref<2000xf32, #tpu.memory_space<vmem>>, %arg12: memref<2576xi32, #tpu.memory_space<vmem>>, %arg13: memref<!tpu.dma_semaphore, #tpu.memory_space<semaphore_mem>>, %arg14: memref<!tpu.dma_semaphore, #tpu.memory_space<semaphore_mem>>, %arg15: memref<!tpu.dma_semaphore, #tpu.memory_space<semaphore_mem>>, %arg16: memref<!tpu.dma_semaphore, #tpu.memory_space<semaphore_mem>>, %arg17: memref<!tpu.dma_semaphore, #tpu.memory_space<semaphore_mem>>, %arg18: memref<!tpu.dma_semaphore, #tpu.memory_space<semaphore_mem>>, %arg19: memref<!tpu.dma_semaphore, #tpu.memory_space<semaphore_mem>>, %arg20: memref<!tpu.dma_semaphore, #tpu.memory_space<semaphore_mem>>) attributes {dimension_semantics = [#tpu.dimension_semantics<core_parallel>, #tpu.dimension_semantics<subcore_parallel>], iteration_bounds = array<i64: 2, 16>, scalar_prefetch = 0 : i64, scratch_operands = 17 : i64, tpu.core_type = #tpu.core_type<sc_vector_subcore>, window_params = [{transform_indices = #map}, {transform_indices = #map}]} {
    %mul3A = arith.constant 2 : i32
    %mul3A_0 = arith.muli %arg1, %mul3A : i32
    %add3A = arith.addi %mul3A_0, %arg0 : i32
    %mul3A_1 = arith.constant 2560 : i32
    %mul3A_2 = arith.muli %add3A, %mul3A_1 : i32
    %mul3A_3 = arith.constant 1000 : i32
    %mul3A_4 = arith.muli %mul3A_2, %mul3A_3 : i32
    %mul3A_5 = arith.constant 2560 : i32
    %mul3A_6 = arith.muli %add3A, %mul3A_5 : i32
    "tpu.region"() ({
      %run_scoped3A = tpu.sem_alloc : memref<!tpu.dma_semaphore, #tpu.memory_space<semaphore_mem>>
      %dma_start3A_433 = arith.constant 0 : i32
      %dma_start3A_434 = tpu.memref_slice %arg12[%dma_start3A_433] : memref<2576xi32, #tpu.memory_space<vmem>> -> memref<2560xi32, #tpu.memory_space<vmem>>
      %dma_start3A_435 = tpu.memref_slice %arg2[%mul3A_6] : memref<81920xi32, #tpu.memory_space<hbm>> -> memref<2560xi32, #tpu.memory_space<hbm>>
      %dma_start3A_436 = arith.constant 0 : i32
      %dma_start3A_437 = tpu.memref_slice %arg12[%dma_start3A_436] : memref<2576xi32, #tpu.memory_space<vmem>> -> memref<2560xi32, #tpu.memory_space<vmem>>
      %dma_start3A_438 = tpu.memref_slice %arg2[%mul3A_6] : memref<81920xi32, #tpu.memory_space<hbm>> -> memref<2560xi32, #tpu.memory_space<hbm>>
      tpu.enqueue_dma source(%dma_start3A_438 : memref<2560xi32, #tpu.memory_space<hbm>>) target(%dma_start3A_437 : memref<2560xi32, #tpu.memory_space<vmem>>) target_semaphore(%run_scoped3A : memref<!tpu.dma_semaphore, #tpu.memory_space<semaphore_mem>>)
      %dma_wait3A_439 = arith.constant 0 : i32
      %dma_wait3A_440 = tpu.memref_slice %arg12[%dma_wait3A_439] : memref<2576xi32, #tpu.memory_space<vmem>> -> memref<2560xi32, #tpu.memory_space<vmem>>
      %dma_wait3A_441 = tpu.memref_slice %arg2[%mul3A_6] : memref<81920xi32, #tpu.memory_space<hbm>> -> memref<2560xi32, #tpu.memory_space<hbm>>
      %dma_wait3A_442 = arith.constant 0 : i32
      %dma_wait3A_443 = tpu.memref_slice %arg12[%dma_wait3A_442] : memref<2576xi32, #tpu.memory_space<vmem>> -> memref<2560xi32, #tpu.memory_space<vmem>>
      %dma_wait3A_444 = tpu.memref_slice %arg2[%mul3A_6] : memref<81920xi32, #tpu.memory_space<hbm>> -> memref<2560xi32, #tpu.memory_space<hbm>>
      tpu.wait_dma2 semaphore(%run_scoped3A : memref<!tpu.dma_semaphore, #tpu.memory_space<semaphore_mem>>) src(%dma_wait3A_444 : memref<2560xi32, #tpu.memory_space<hbm>>) dst(%dma_wait3A_443 : memref<2560xi32, #tpu.memory_space<vmem>>)
      tpu.yield
    }) : () -> ()
    %broadcast_in_dim3A = arith.constant 0.000000e+00 : f32
    %broadcast_in_dim3A_7 = vector.broadcast %broadcast_in_dim3A : f32 to vector<16xf32>
    %iota3A = tpu.iota {dimensions = array<i32: 0>} : vector<16xi32>
    %scan3A = arith.constant 0 : i32
    %scan3A_8 = arith.constant 0 : i32
    %scan3A_9 = arith.constant 125 : i32
    %scan3A_10 = arith.addi %scan3A_8, %scan3A_9 : i32
    %scan3A_11 = arith.constant 1 : i32
    %scan3A_12 = scf.for %scan3A_433 = %scan3A_8 to %scan3A_10 step %scan3A_11 iter_args(%scan3A_434 = %scan3A) -> (i32)  : i32 {
      %mul3A_435 = arith.constant 16 : i32
      %mul3A_436 = arith.muli %scan3A_433, %mul3A_435 : i32
      %swap3A_437 = arith.index_cast %mul3A_436 : i32 to index
      %swap3A_438 = tpu.vector_load %arg4[%swap3A_437] {strides = array<i32>} : memref<2000xf32, #tpu.memory_space<vmem>>, vector<16xf32>,
      %swap3A_439 = vector.shape_cast %swap3A_438 : vector<16xf32> to vector<16xf32>
      %swap3A_440 = vector.shape_cast %broadcast_in_dim3A_7 : vector<16xf32> to vector<16xf32>
      tpu.vector_store %arg4[%swap3A_437], %swap3A_440 {strides = array<i32>} : memref<2000xf32, #tpu.memory_space<vmem>>, vector<16xf32>,
      %mul3A_441 = arith.constant 16 : i32
      %mul3A_442 = arith.muli %scan3A_433, %mul3A_441 : i32
      %swap3A_443 = arith.index_cast %mul3A_442 : i32 to index
      %swap3A_444 = tpu.vector_load %arg5[%swap3A_443] {strides = array<i32>} : memref<2000xf32, #tpu.memory_space<vmem>>, vector<16xf32>,
      %swap3A_445 = vector.shape_cast %swap3A_444 : vector<16xf32> to vector<16xf32>
      %swap3A_446 = vector.shape_cast %broadcast_in_dim3A_7 : vector<16xf32> to vector<16xf32>
      tpu.vector_store %arg5[%swap3A_443], %swap3A_446 {strides = array<i32>} : memref<2000xf32, #tpu.memory_space<vmem>>, vector<16xf32>,
      %mul3A_447 = arith.constant 16 : i32
      %mul3A_448 = arith.muli %scan3A_433, %mul3A_447 : i32
      %swap3A_449 = arith.index_cast %mul3A_448 : i32 to index
      %swap3A_450 = tpu.vector_load %arg6[%swap3A_449] {strides = array<i32>} : memref<2000xf32, #tpu.memory_space<vmem>>, vector<16xf32>,
      %swap3A_451 = vector.shape_cast %swap3A_450 : vector<16xf32> to vector<16xf32>
      %swap3A_452 = vector.shape_cast %broadcast_in_dim3A_7 : vector<16xf32> to vector<16xf32>
      tpu.vector_store %arg6[%swap3A_449], %swap3A_452 {strides = array<i32>} : memref<2000xf32, #tpu.memory_space<vmem>>, vector<16xf32>,
      %mul3A_453 = arith.constant 16 : i32
      %mul3A_454 = arith.muli %scan3A_433, %mul3A_453 : i32
      %swap3A_455 = arith.index_cast %mul3A_454 : i32 to index
      %swap3A_456 = tpu.vector_load %arg7[%swap3A_455] {strides = array<i32>} : memref<2000xf32, #tpu.memory_space<vmem>>, vector<16xf32>,
      %swap3A_457 = vector.shape_cast %swap3A_456 : vector<16xf32> to vector<16xf32>
      %swap3A_458 = vector.shape_cast %broadcast_in_dim3A_7 : vector<16xf32> to vector<16xf32>
      tpu.vector_store %arg7[%swap3A_455], %swap3A_458 {strides = array<i32>} : memref<2000xf32, #tpu.memory_space<vmem>>, vector<16xf32>,
      %mul3A_459 = arith.constant 16 : i32
      %mul3A_460 = arith.muli %scan3A_433, %mul3A_459 : i32
      %swap3A_461 = arith.index_cast %mul3A_460 : i32 to index
      %swap3A_462 = tpu.vector_load %arg8[%swap3A_461] {strides = array<i32>} : memref<2000xf32, #tpu.memory_space<vmem>>, vector<16xf32>,
      %swap3A_463 = vector.shape_cast %swap3A_462 : vector<16xf32> to vector<16xf32>
      %swap3A_464 = vector.shape_cast %broadcast_in_dim3A_7 : vector<16xf32> to vector<16xf32>
      tpu.vector_store %arg8[%swap3A_461], %swap3A_464 {strides = array<i32>} : memref<2000xf32, #tpu.memory_space<vmem>>, vector<16xf32>,
      %mul3A_465 = arith.constant 16 : i32
      %mul3A_466 = arith.muli %scan3A_433, %mul3A_465 : i32
      %swap3A_467 = arith.index_cast %mul3A_466 : i32 to index
      %swap3A_468 = tpu.vector_load %arg9[%swap3A_467] {strides = array<i32>} : memref<2000xf32, #tpu.memory_space<vmem>>, vector<16xf32>,
      %swap3A_469 = vector.shape_cast %swap3A_468 : vector<16xf32> to vector<16xf32>
      %swap3A_470 = vector.shape_cast %broadcast_in_dim3A_7 : vector<16xf32> to vector<16xf32>
      tpu.vector_store %arg9[%swap3A_467], %swap3A_470 {strides = array<i32>} : memref<2000xf32, #tpu.memory_space<vmem>>, vector<16xf32>,
      %mul3A_471 = arith.constant 16 : i32
      %mul3A_472 = arith.muli %scan3A_433, %mul3A_471 : i32
      %swap3A_473 = arith.index_cast %mul3A_472 : i32 to index
      %swap3A_474 = tpu.vector_load %arg10[%swap3A_473] {strides = array<i32>} : memref<2000xf32, #tpu.memory_space<vmem>>, vector<16xf32>,
      %swap3A_475 = vector.shape_cast %swap3A_474 : vector<16xf32> to vector<16xf32>
      %swap3A_476 = vector.shape_cast %broadcast_in_dim3A_7 : vector<16xf32> to vector<16xf32>
      tpu.vector_store %arg10[%swap3A_473], %swap3A_476 {strides = array<i32>} : memref<2000xf32, #tpu.memory_space<vmem>>, vector<16xf32>,
      %mul3A_477 = arith.constant 16 : i32
      %mul3A_478 = arith.muli %scan3A_433, %mul3A_477 : i32
      %swap3A_479 = arith.index_cast %mul3A_478 : i32 to index
      %swap3A_480 = tpu.vector_load %arg11[%swap3A_479] {strides = array<i32>} : memref<2000xf32, #tpu.memory_space<vmem>>, vector<16xf32>,
      %swap3A_481 = vector.shape_cast %swap3A_480 : vector<16xf32> to vector<16xf32>
      %swap3A_482 = vector.shape_cast %broadcast_in_dim3A_7 : vector<16xf32> to vector<16xf32>
      tpu.vector_store %arg11[%swap3A_479], %swap3A_482 {strides = array<i32>} : memref<2000xf32, #tpu.memory_space<vmem>>, vector<16xf32>,
      %scan3A_483 = arith.constant 0 : i32
      scf.yield %scan3A_483 : i32
    }
    %scan3A_13 = arith.constant 125 : i32
    %get3A = arith.constant 0 : index
    %get3A_14 = tpu.vector_load %arg12[%get3A] {strides = array<i32>} : memref<2576xi32, #tpu.memory_space<vmem>>, vector<16xi32>,
    %get3A_15 = vector.shape_cast %get3A_14 : vector<16xi32> to vector<16xi32>
    %slice3A = vector.extract_strided_slice %get3A_15 {offsets = [0], sizes = [1], strides = [1]} : vector<16xi32> to vector<1xi32>
    %squeeze3A = vector.extract %slice3A[0] : i32 from vector<1xi32>
    %add3A_16 = arith.constant 0 : i32
    %add3A_17 = arith.addi %add3A_16, %squeeze3A : i32
    %shift_right_arithmetic3A = arith.constant 4 : i32
    %shift_right_arithmetic3A_18 = arith.shrsi %add3A_17, %shift_right_arithmetic3A : i32
    %shift_left3A = arith.constant 4 : i32
    %shift_left3A_19 = arith.shli %shift_right_arithmetic3A_18, %shift_left3A : i32
    %sub3A = arith.subi %add3A_17, %shift_left3A_19 : i32
    %get3A_20 = arith.index_cast %shift_left3A_19 : i32 to index
    %get3A_21 = tpu.vector_load %arg4[%get3A_20] {strides = array<i32>} : memref<2000xf32, #tpu.memory_space<vmem>>, vector<16xf32>,
    %get3A_22 = vector.shape_cast %get3A_21 : vector<16xf32> to vector<16xf32>
    %eq3A = vector.broadcast %sub3A : i32 to vector<16xi32>
    %eq3A_23 = arith.cmpi eq, %iota3A, %eq3A : vector<16xi32>
    %jit3A = arith.constant 1.000000e+00 : f32
    %broadcast_in_dim3A_24 = vector.broadcast %jit3A : f32 to vector<16xf32>
    %select_n3A = arith.select %eq3A_23, %broadcast_in_dim3A_24, %get3A_22 : vector<16xi1>, vector<16xf32>
    %swap3A = arith.index_cast %shift_left3A_19 : i32 to index
    %swap3A_25 = tpu.vector_load %arg4[%swap3A] {strides = array<i32>} : memref<2000xf32, #tpu.memory_space<vmem>>, vector<16xf32>,
    %swap3A_26 = vector.shape_cast %swap3A_25 : vector<16xf32> to vector<16xf32>
    %swap3A_27 = vector.shape_cast %select_n3A : vector<16xf32> to vector<16xf32>
    tpu.vector_store %arg4[%swap3A], %swap3A_27 {strides = array<i32>} : memref<2000xf32, #tpu.memory_space<vmem>>, vector<16xf32>,
    %slice3A_28 = vector.extract_strided_slice %get3A_15 {offsets = [1], sizes = [1], strides = [1]} : vector<16xi32> to vector<1xi32>
    %squeeze3A_29 = vector.extract %slice3A_28[0] : i32 from vector<1xi32>
    %add3A_30 = arith.constant 1000 : i32
    %add3A_31 = arith.addi %add3A_30, %squeeze3A_29 : i32
    %shift_right_arithmetic3A_32 = arith.constant 4 : i32
    %shift_right_arithmetic3A_33 = arith.shrsi %add3A_31, %shift_right_arithmetic3A_32 : i32
    %shift_left3A_34 = arith.constant 4 : i32
    %shift_left3A_35 = arith.shli %shift_right_arithmetic3A_33, %shift_left3A_34 : i32
    %sub3A_36 = arith.subi %add3A_31, %shift_left3A_35 : i32
    %get3A_37 = arith.index_cast %shift_left3A_35 : i32 to index
    %get3A_38 = tpu.vector_load %arg4[%get3A_37] {strides = array<i32>} : memref<2000xf32, #tpu.memory_space<vmem>>, vector<16xf32>,
    %get3A_39 = vector.shape_cast %get3A_38 : vector<16xf32> to vector<16xf32>
    %eq3A_40 = vector.broadcast %sub3A_36 : i32 to vector<16xi32>
    %eq3A_41 = arith.cmpi eq, %iota3A, %eq3A_40 : vector<16xi32>
    %jit3A_42 = arith.constant 1.000000e+00 : f32
    %broadcast_in_dim3A_43 = vector.broadcast %jit3A_42 : f32 to vector<16xf32>
    %select_n3A_44 = arith.select %eq3A_41, %broadcast_in_dim3A_43, %get3A_39 : vector<16xi1>, vector<16xf32>
    %swap3A_45 = arith.index_cast %shift_left3A_35 : i32 to index
    %swap3A_46 = tpu.vector_load %arg4[%swap3A_45] {strides = array<i32>} : memref<2000xf32, #tpu.memory_space<vmem>>, vector<16xf32>,
    %swap3A_47 = vector.shape_cast %swap3A_46 : vector<16xf32> to vector<16xf32>
    %swap3A_48 = vector.shape_cast %select_n3A_44 : vector<16xf32> to vector<16xf32>
    tpu.vector_store %arg4[%swap3A_45], %swap3A_48 {strides = array<i32>} : memref<2000xf32, #tpu.memory_space<vmem>>, vector<16xf32>,
    %add3A_49 = arith.constant 0 : i32
    %add3A_50 = arith.addi %mul3A_4, %add3A_49 : i32
    %dma_start3A = tpu.memref_slice %arg3[%add3A_50] : memref<81920000xf32, #tpu.memory_space<hbm>> -> memref<2000xf32, #tpu.memory_space<hbm>>
    %dma_start3A_51 = tpu.memref_slice %arg3[%add3A_50] : memref<81920000xf32, #tpu.memory_space<hbm>> -> memref<2000xf32, #tpu.memory_space<hbm>>
    tpu.enqueue_dma source(%arg4 : memref<2000xf32, #tpu.memory_space<vmem>>) target(%dma_start3A_51 : memref<2000xf32, #tpu.memory_space<hbm>>) target_semaphore(%arg13 : memref<!tpu.dma_semaphore, #tpu.memory_space<semaphore_mem>>)
    %get3A_52 = arith.constant 2 : index
    %get3A_53 = tpu.vector_load %arg12[%get3A_52] {strides = array<i32>} : memref<2576xi32, #tpu.memory_space<vmem>>, vector<16xi32>,
    %get3A_54 = vector.shape_cast %get3A_53 : vector<16xi32> to vector<16xi32>
    %slice3A_55 = vector.extract_strided_slice %get3A_54 {offsets = [0], sizes = [1], strides = [1]} : vector<16xi32> to vector<1xi32>
    %squeeze3A_56 = vector.extract %slice3A_55[0] : i32 from vector<1xi32>
    %add3A_57 = arith.constant 0 : i32
    %add3A_58 = arith.addi %add3A_57, %squeeze3A_56 : i32
    %shift_right_arithmetic3A_59 = arith.constant 4 : i32
    %shift_right_arithmetic3A_60 = arith.shrsi %add3A_58, %shift_right_arithmetic3A_59 : i32
    %shift_left3A_61 = arith.constant 4 : i32
    %shift_left3A_62 = arith.shli %shift_right_arithmetic3A_60, %shift_left3A_61 : i32
    %sub3A_63 = arith.subi %add3A_58, %shift_left3A_62 : i32
    %get3A_64 = arith.index_cast %shift_left3A_62 : i32 to index
    %get3A_65 = tpu.vector_load %arg5[%get3A_64] {strides = array<i32>} : memref<2000xf32, #tpu.memory_space<vmem>>, vector<16xf32>,
    %get3A_66 = vector.shape_cast %get3A_65 : vector<16xf32> to vector<16xf32>
    %eq3A_67 = vector.broadcast %sub3A_63 : i32 to vector<16xi32>
    %eq3A_68 = arith.cmpi eq, %iota3A, %eq3A_67 : vector<16xi32>
    %jit3A_69 = arith.constant 1.000000e+00 : f32
    %broadcast_in_dim3A_70 = vector.broadcast %jit3A_69 : f32 to vector<16xf32>
    %select_n3A_71 = arith.select %eq3A_68, %broadcast_in_dim3A_70, %get3A_66 : vector<16xi1>, vector<16xf32>
    %swap3A_72 = arith.index_cast %shift_left3A_62 : i32 to index
    %swap3A_73 = tpu.vector_load %arg5[%swap3A_72] {strides = array<i32>} : memref<2000xf32, #tpu.memory_space<vmem>>, vector<16xf32>,
    %swap3A_74 = vector.shape_cast %swap3A_73 : vector<16xf32> to vector<16xf32>
    %swap3A_75 = vector.shape_cast %select_n3A_71 : vector<16xf32> to vector<16xf32>
    tpu.vector_store %arg5[%swap3A_72], %swap3A_75 {strides = array<i32>} : memref<2000xf32, #tpu.memory_space<vmem>>, vector<16xf32>,
    %slice3A_76 = vector.extract_strided_slice %get3A_54 {offsets = [1], sizes = [1], strides = [1]} : vector<16xi32> to vector<1xi32>
    %squeeze3A_77 = vector.extract %slice3A_76[0] : i32 from vector<1xi32>
    %add3A_78 = arith.constant 1000 : i32
    %add3A_79 = arith.addi %add3A_78, %squeeze3A_77 : i32
    %shift_right_arithmetic3A_80 = arith.constant 4 : i32
    %shift_right_arithmetic3A_81 = arith.shrsi %add3A_79, %shift_right_arithmetic3A_80 : i32
    %shift_left3A_82 = arith.constant 4 : i32
    %shift_left3A_83 = arith.shli %shift_right_arithmetic3A_81, %shift_left3A_82 : i32
    %sub3A_84 = arith.subi %add3A_79, %shift_left3A_83 : i32
    %get3A_85 = arith.index_cast %shift_left3A_83 : i32 to index
    %get3A_86 = tpu.vector_load %arg5[%get3A_85] {strides = array<i32>} : memref<2000xf32, #tpu.memory_space<vmem>>, vector<16xf32>,
    %get3A_87 = vector.shape_cast %get3A_86 : vector<16xf32> to vector<16xf32>
    %eq3A_88 = vector.broadcast %sub3A_84 : i32 to vector<16xi32>
    %eq3A_89 = arith.cmpi eq, %iota3A, %eq3A_88 : vector<16xi32>
    %jit3A_90 = arith.constant 1.000000e+00 : f32
    %broadcast_in_dim3A_91 = vector.broadcast %jit3A_90 : f32 to vector<16xf32>
    %select_n3A_92 = arith.select %eq3A_89, %broadcast_in_dim3A_91, %get3A_87 : vector<16xi1>, vector<16xf32>
    %swap3A_93 = arith.index_cast %shift_left3A_83 : i32 to index
    %swap3A_94 = tpu.vector_load %arg5[%swap3A_93] {strides = array<i32>} : memref<2000xf32, #tpu.memory_space<vmem>>, vector<16xf32>,
    %swap3A_95 = vector.shape_cast %swap3A_94 : vector<16xf32> to vector<16xf32>
    %swap3A_96 = vector.shape_cast %select_n3A_92 : vector<16xf32> to vector<16xf32>
    tpu.vector_store %arg5[%swap3A_93], %swap3A_96 {strides = array<i32>} : memref<2000xf32, #tpu.memory_space<vmem>>, vector<16xf32>,
    %add3A_97 = arith.constant 2000 : i32
    %add3A_98 = arith.addi %mul3A_4, %add3A_97 : i32
    %dma_start3A_99 = tpu.memref_slice %arg3[%add3A_98] : memref<81920000xf32, #tpu.memory_space<hbm>> -> memref<2000xf32, #tpu.memory_space<hbm>>
    %dma_start3A_100 = tpu.memref_slice %arg3[%add3A_98] : memref<81920000xf32, #tpu.memory_space<hbm>> -> memref<2000xf32, #tpu.memory_space<hbm>>
    tpu.enqueue_dma source(%arg5 : memref<2000xf32, #tpu.memory_space<vmem>>) target(%dma_start3A_100 : memref<2000xf32, #tpu.memory_space<hbm>>) target_semaphore(%arg14 : memref<!tpu.dma_semaphore, #tpu.memory_space<semaphore_mem>>)
    %get3A_101 = arith.constant 4 : index
    %get3A_102 = tpu.vector_load %arg12[%get3A_101] {strides = array<i32>} : memref<2576xi32, #tpu.memory_space<vmem>>, vector<16xi32>,
    %get3A_103 = vector.shape_cast %get3A_102 : vector<16xi32> to vector<16xi32>
    %slice3A_104 = vector.extract_strided_slice %get3A_103 {offsets = [0], sizes = [1], strides = [1]} : vector<16xi32> to vector<1xi32>
    %squeeze3A_105 = vector.extract %slice3A_104[0] : i32 from vector<1xi32>
    %add3A_106 = arith.constant 0 : i32
    %add3A_107 = arith.addi %add3A_106, %squeeze3A_105 : i32
    %shift_right_arithmetic3A_108 = arith.constant 4 : i32
    %shift_right_arithmetic3A_109 = arith.shrsi %add3A_107, %shift_right_arithmetic3A_108 : i32
    %shift_left3A_110 = arith.constant 4 : i32
    %shift_left3A_111 = arith.shli %shift_right_arithmetic3A_109, %shift_left3A_110 : i32
    %sub3A_112 = arith.subi %add3A_107, %shift_left3A_111 : i32
    %get3A_113 = arith.index_cast %shift_left3A_111 : i32 to index
    %get3A_114 = tpu.vector_load %arg6[%get3A_113] {strides = array<i32>} : memref<2000xf32, #tpu.memory_space<vmem>>, vector<16xf32>,
    %get3A_115 = vector.shape_cast %get3A_114 : vector<16xf32> to vector<16xf32>
    %eq3A_116 = vector.broadcast %sub3A_112 : i32 to vector<16xi32>
    %eq3A_117 = arith.cmpi eq, %iota3A, %eq3A_116 : vector<16xi32>
    %jit3A_118 = arith.constant 1.000000e+00 : f32
    %broadcast_in_dim3A_119 = vector.broadcast %jit3A_118 : f32 to vector<16xf32>
    %select_n3A_120 = arith.select %eq3A_117, %broadcast_in_dim3A_119, %get3A_115 : vector<16xi1>, vector<16xf32>
    %swap3A_121 = arith.index_cast %shift_left3A_111 : i32 to index
    %swap3A_122 = tpu.vector_load %arg6[%swap3A_121] {strides = array<i32>} : memref<2000xf32, #tpu.memory_space<vmem>>, vector<16xf32>,
    %swap3A_123 = vector.shape_cast %swap3A_122 : vector<16xf32> to vector<16xf32>
    %swap3A_124 = vector.shape_cast %select_n3A_120 : vector<16xf32> to vector<16xf32>
    tpu.vector_store %arg6[%swap3A_121], %swap3A_124 {strides = array<i32>} : memref<2000xf32, #tpu.memory_space<vmem>>, vector<16xf32>,
    %slice3A_125 = vector.extract_strided_slice %get3A_103 {offsets = [1], sizes = [1], strides = [1]} : vector<16xi32> to vector<1xi32>
    %squeeze3A_126 = vector.extract %slice3A_125[0] : i32 from vector<1xi32>
    %add3A_127 = arith.constant 1000 : i32
    %add3A_128 = arith.addi %add3A_127, %squeeze3A_126 : i32
    %shift_right_arithmetic3A_129 = arith.constant 4 : i32
    %shift_right_arithmetic3A_130 = arith.shrsi %add3A_128, %shift_right_arithmetic3A_129 : i32
    %shift_left3A_131 = arith.constant 4 : i32
    %shift_left3A_132 = arith.shli %shift_right_arithmetic3A_130, %shift_left3A_131 : i32
    %sub3A_133 = arith.subi %add3A_128, %shift_left3A_132 : i32
    %get3A_134 = arith.index_cast %shift_left3A_132 : i32 to index
    %get3A_135 = tpu.vector_load %arg6[%get3A_134] {strides = array<i32>} : memref<2000xf32, #tpu.memory_space<vmem>>, vector<16xf32>,
    %get3A_136 = vector.shape_cast %get3A_135 : vector<16xf32> to vector<16xf32>
    %eq3A_137 = vector.broadcast %sub3A_133 : i32 to vector<16xi32>
    %eq3A_138 = arith.cmpi eq, %iota3A, %eq3A_137 : vector<16xi32>
    %jit3A_139 = arith.constant 1.000000e+00 : f32
    %broadcast_in_dim3A_140 = vector.broadcast %jit3A_139 : f32 to vector<16xf32>
    %select_n3A_141 = arith.select %eq3A_138, %broadcast_in_dim3A_140, %get3A_136 : vector<16xi1>, vector<16xf32>
    %swap3A_142 = arith.index_cast %shift_left3A_132 : i32 to index
    %swap3A_143 = tpu.vector_load %arg6[%swap3A_142] {strides = array<i32>} : memref<2000xf32, #tpu.memory_space<vmem>>, vector<16xf32>,
    %swap3A_144 = vector.shape_cast %swap3A_143 : vector<16xf32> to vector<16xf32>
    %swap3A_145 = vector.shape_cast %select_n3A_141 : vector<16xf32> to vector<16xf32>
    tpu.vector_store %arg6[%swap3A_142], %swap3A_145 {strides = array<i32>} : memref<2000xf32, #tpu.memory_space<vmem>>, vector<16xf32>,
    %add3A_146 = arith.constant 4000 : i32
    %add3A_147 = arith.addi %mul3A_4, %add3A_146 : i32
    %dma_start3A_148 = tpu.memref_slice %arg3[%add3A_147] : memref<81920000xf32, #tpu.memory_space<hbm>> -> memref<2000xf32, #tpu.memory_space<hbm>>
    %dma_start3A_149 = tpu.memref_slice %arg3[%add3A_147] : memref<81920000xf32, #tpu.memory_space<hbm>> -> memref<2000xf32, #tpu.memory_space<hbm>>
    tpu.enqueue_dma source(%arg6 : memref<2000xf32, #tpu.memory_space<vmem>>) target(%dma_start3A_149 : memref<2000xf32, #tpu.memory_space<hbm>>) target_semaphore(%arg15 : memref<!tpu.dma_semaphore, #tpu.memory_space<semaphore_mem>>)
    %get3A_150 = arith.constant 6 : index
    %get3A_151 = tpu.vector_load %arg12[%get3A_150] {strides = array<i32>} : memref<2576xi32, #tpu.memory_space<vmem>>, vector<16xi32>,
    %get3A_152 = vector.shape_cast %get3A_151 : vector<16xi32> to vector<16xi32>
    %slice3A_153 = vector.extract_strided_slice %get3A_152 {offsets = [0], sizes = [1], strides = [1]} : vector<16xi32> to vector<1xi32>
    %squeeze3A_154 = vector.extract %slice3A_153[0] : i32 from vector<1xi32>
    %add3A_155 = arith.constant 0 : i32
    %add3A_156 = arith.addi %add3A_155, %squeeze3A_154 : i32
    %shift_right_arithmetic3A_157 = arith.constant 4 : i32
    %shift_right_arithmetic3A_158 = arith.shrsi %add3A_156, %shift_right_arithmetic3A_157 : i32
    %shift_left3A_159 = arith.constant 4 : i32
    %shift_left3A_160 = arith.shli %shift_right_arithmetic3A_158, %shift_left3A_159 : i32
    %sub3A_161 = arith.subi %add3A_156, %shift_left3A_160 : i32
    %get3A_162 = arith.index_cast %shift_left3A_160 : i32 to index
    %get3A_163 = tpu.vector_load %arg7[%get3A_162] {strides = array<i32>} : memref<2000xf32, #tpu.memory_space<vmem>>, vector<16xf32>,
    %get3A_164 = vector.shape_cast %get3A_163 : vector<16xf32> to vector<16xf32>
    %eq3A_165 = vector.broadcast %sub3A_161 : i32 to vector<16xi32>
    %eq3A_166 = arith.cmpi eq, %iota3A, %eq3A_165 : vector<16xi32>
    %jit3A_167 = arith.constant 1.000000e+00 : f32
    %broadcast_in_dim3A_168 = vector.broadcast %jit3A_167 : f32 to vector<16xf32>
    %select_n3A_169 = arith.select %eq3A_166, %broadcast_in_dim3A_168, %get3A_164 : vector<16xi1>, vector<16xf32>
    %swap3A_170 = arith.index_cast %shift_left3A_160 : i32 to index
    %swap3A_171 = tpu.vector_load %arg7[%swap3A_170] {strides = array<i32>} : memref<2000xf32, #tpu.memory_space<vmem>>, vector<16xf32>,
    %swap3A_172 = vector.shape_cast %swap3A_171 : vector<16xf32> to vector<16xf32>
    %swap3A_173 = vector.shape_cast %select_n3A_169 : vector<16xf32> to vector<16xf32>
    tpu.vector_store %arg7[%swap3A_170], %swap3A_173 {strides = array<i32>} : memref<2000xf32, #tpu.memory_space<vmem>>, vector<16xf32>,
    %slice3A_174 = vector.extract_strided_slice %get3A_152 {offsets = [1], sizes = [1], strides = [1]} : vector<16xi32> to vector<1xi32>
    %squeeze3A_175 = vector.extract %slice3A_174[0] : i32 from vector<1xi32>
    %add3A_176 = arith.constant 1000 : i32
    %add3A_177 = arith.addi %add3A_176, %squeeze3A_175 : i32
    %shift_right_arithmetic3A_178 = arith.constant 4 : i32
    %shift_right_arithmetic3A_179 = arith.shrsi %add3A_177, %shift_right_arithmetic3A_178 : i32
    %shift_left3A_180 = arith.constant 4 : i32
    %shift_left3A_181 = arith.shli %shift_right_arithmetic3A_179, %shift_left3A_180 : i32
    %sub3A_182 = arith.subi %add3A_177, %shift_left3A_181 : i32
    %get3A_183 = arith.index_cast %shift_left3A_181 : i32 to index
    %get3A_184 = tpu.vector_load %arg7[%get3A_183] {strides = array<i32>} : memref<2000xf32, #tpu.memory_space<vmem>>, vector<16xf32>,
    %get3A_185 = vector.shape_cast %get3A_184 : vector<16xf32> to vector<16xf32>
    %eq3A_186 = vector.broadcast %sub3A_182 : i32 to vector<16xi32>
    %eq3A_187 = arith.cmpi eq, %iota3A, %eq3A_186 : vector<16xi32>
    %jit3A_188 = arith.constant 1.000000e+00 : f32
    %broadcast_in_dim3A_189 = vector.broadcast %jit3A_188 : f32 to vector<16xf32>
    %select_n3A_190 = arith.select %eq3A_187, %broadcast_in_dim3A_189, %get3A_185 : vector<16xi1>, vector<16xf32>
    %swap3A_191 = arith.index_cast %shift_left3A_181 : i32 to index
    %swap3A_192 = tpu.vector_load %arg7[%swap3A_191] {strides = array<i32>} : memref<2000xf32, #tpu.memory_space<vmem>>, vector<16xf32>,
    %swap3A_193 = vector.shape_cast %swap3A_192 : vector<16xf32> to vector<16xf32>
    %swap3A_194 = vector.shape_cast %select_n3A_190 : vector<16xf32> to vector<16xf32>
    tpu.vector_store %arg7[%swap3A_191], %swap3A_194 {strides = array<i32>} : memref<2000xf32, #tpu.memory_space<vmem>>, vector<16xf32>,
    %add3A_195 = arith.constant 6000 : i32
    %add3A_196 = arith.addi %mul3A_4, %add3A_195 : i32
    %dma_start3A_197 = tpu.memref_slice %arg3[%add3A_196] : memref<81920000xf32, #tpu.memory_space<hbm>> -> memref<2000xf32, #tpu.memory_space<hbm>>
    %dma_start3A_198 = tpu.memref_slice %arg3[%add3A_196] : memref<81920000xf32, #tpu.memory_space<hbm>> -> memref<2000xf32, #tpu.memory_space<hbm>>
    tpu.enqueue_dma source(%arg7 : memref<2000xf32, #tpu.memory_space<vmem>>) target(%dma_start3A_198 : memref<2000xf32, #tpu.memory_space<hbm>>) target_semaphore(%arg16 : memref<!tpu.dma_semaphore, #tpu.memory_space<semaphore_mem>>)
    %get3A_199 = arith.constant 8 : index
    %get3A_200 = tpu.vector_load %arg12[%get3A_199] {strides = array<i32>} : memref<2576xi32, #tpu.memory_space<vmem>>, vector<16xi32>,
    %get3A_201 = vector.shape_cast %get3A_200 : vector<16xi32> to vector<16xi32>
    %slice3A_202 = vector.extract_strided_slice %get3A_201 {offsets = [0], sizes = [1], strides = [1]} : vector<16xi32> to vector<1xi32>
    %squeeze3A_203 = vector.extract %slice3A_202[0] : i32 from vector<1xi32>
    %add3A_204 = arith.constant 0 : i32
    %add3A_205 = arith.addi %add3A_204, %squeeze3A_203 : i32
    %shift_right_arithmetic3A_206 = arith.constant 4 : i32
    %shift_right_arithmetic3A_207 = arith.shrsi %add3A_205, %shift_right_arithmetic3A_206 : i32
    %shift_left3A_208 = arith.constant 4 : i32
    %shift_left3A_209 = arith.shli %shift_right_arithmetic3A_207, %shift_left3A_208 : i32
    %sub3A_210 = arith.subi %add3A_205, %shift_left3A_209 : i32
    %get3A_211 = arith.index_cast %shift_left3A_209 : i32 to index
    %get3A_212 = tpu.vector_load %arg8[%get3A_211] {strides = array<i32>} : memref<2000xf32, #tpu.memory_space<vmem>>, vector<16xf32>,
    %get3A_213 = vector.shape_cast %get3A_212 : vector<16xf32> to vector<16xf32>
    %eq3A_214 = vector.broadcast %sub3A_210 : i32 to vector<16xi32>
    %eq3A_215 = arith.cmpi eq, %iota3A, %eq3A_214 : vector<16xi32>
    %jit3A_216 = arith.constant 1.000000e+00 : f32
    %broadcast_in_dim3A_217 = vector.broadcast %jit3A_216 : f32 to vector<16xf32>
    %select_n3A_218 = arith.select %eq3A_215, %broadcast_in_dim3A_217, %get3A_213 : vector<16xi1>, vector<16xf32>
    %swap3A_219 = arith.index_cast %shift_left3A_209 : i32 to index
    %swap3A_220 = tpu.vector_load %arg8[%swap3A_219] {strides = array<i32>} : memref<2000xf32, #tpu.memory_space<vmem>>, vector<16xf32>,
    %swap3A_221 = vector.shape_cast %swap3A_220 : vector<16xf32> to vector<16xf32>
    %swap3A_222 = vector.shape_cast %select_n3A_218 : vector<16xf32> to vector<16xf32>
    tpu.vector_store %arg8[%swap3A_219], %swap3A_222 {strides = array<i32>} : memref<2000xf32, #tpu.memory_space<vmem>>, vector<16xf32>,
    %slice3A_223 = vector.extract_strided_slice %get3A_201 {offsets = [1], sizes = [1], strides = [1]} : vector<16xi32> to vector<1xi32>
    %squeeze3A_224 = vector.extract %slice3A_223[0] : i32 from vector<1xi32>
    %add3A_225 = arith.constant 1000 : i32
    %add3A_226 = arith.addi %add3A_225, %squeeze3A_224 : i32
    %shift_right_arithmetic3A_227 = arith.constant 4 : i32
    %shift_right_arithmetic3A_228 = arith.shrsi %add3A_226, %shift_right_arithmetic3A_227 : i32
    %shift_left3A_229 = arith.constant 4 : i32
    %shift_left3A_230 = arith.shli %shift_right_arithmetic3A_228, %shift_left3A_229 : i32
    %sub3A_231 = arith.subi %add3A_226, %shift_left3A_230 : i32
    %get3A_232 = arith.index_cast %shift_left3A_230 : i32 to index
    %get3A_233 = tpu.vector_load %arg8[%get3A_232] {strides = array<i32>} : memref<2000xf32, #tpu.memory_space<vmem>>, vector<16xf32>,
    %get3A_234 = vector.shape_cast %get3A_233 : vector<16xf32> to vector<16xf32>
    %eq3A_235 = vector.broadcast %sub3A_231 : i32 to vector<16xi32>
    %eq3A_236 = arith.cmpi eq, %iota3A, %eq3A_235 : vector<16xi32>
    %jit3A_237 = arith.constant 1.000000e+00 : f32
    %broadcast_in_dim3A_238 = vector.broadcast %jit3A_237 : f32 to vector<16xf32>
    %select_n3A_239 = arith.select %eq3A_236, %broadcast_in_dim3A_238, %get3A_234 : vector<16xi1>, vector<16xf32>
    %swap3A_240 = arith.index_cast %shift_left3A_230 : i32 to index
    %swap3A_241 = tpu.vector_load %arg8[%swap3A_240] {strides = array<i32>} : memref<2000xf32, #tpu.memory_space<vmem>>, vector<16xf32>,
    %swap3A_242 = vector.shape_cast %swap3A_241 : vector<16xf32> to vector<16xf32>
    %swap3A_243 = vector.shape_cast %select_n3A_239 : vector<16xf32> to vector<16xf32>
    tpu.vector_store %arg8[%swap3A_240], %swap3A_243 {strides = array<i32>} : memref<2000xf32, #tpu.memory_space<vmem>>, vector<16xf32>,
    %add3A_244 = arith.constant 8000 : i32
    %add3A_245 = arith.addi %mul3A_4, %add3A_244 : i32
    %dma_start3A_246 = tpu.memref_slice %arg3[%add3A_245] : memref<81920000xf32, #tpu.memory_space<hbm>> -> memref<2000xf32, #tpu.memory_space<hbm>>
    %dma_start3A_247 = tpu.memref_slice %arg3[%add3A_245] : memref<81920000xf32, #tpu.memory_space<hbm>> -> memref<2000xf32, #tpu.memory_space<hbm>>
    tpu.enqueue_dma source(%arg8 : memref<2000xf32, #tpu.memory_space<vmem>>) target(%dma_start3A_247 : memref<2000xf32, #tpu.memory_space<hbm>>) target_semaphore(%arg17 : memref<!tpu.dma_semaphore, #tpu.memory_space<semaphore_mem>>)
    %get3A_248 = arith.constant 10 : index
    %get3A_249 = tpu.vector_load %arg12[%get3A_248] {strides = array<i32>} : memref<2576xi32, #tpu.memory_space<vmem>>, vector<16xi32>,
    %get3A_250 = vector.shape_cast %get3A_249 : vector<16xi32> to vector<16xi32>
    %slice3A_251 = vector.extract_strided_slice %get3A_250 {offsets = [0], sizes = [1], strides = [1]} : vector<16xi32> to vector<1xi32>
    %squeeze3A_252 = vector.extract %slice3A_251[0] : i32 from vector<1xi32>
    %add3A_253 = arith.constant 0 : i32
    %add3A_254 = arith.addi %add3A_253, %squeeze3A_252 : i32
    %shift_right_arithmetic3A_255 = arith.constant 4 : i32
    %shift_right_arithmetic3A_256 = arith.shrsi %add3A_254, %shift_right_arithmetic3A_255 : i32
    %shift_left3A_257 = arith.constant 4 : i32
    %shift_left3A_258 = arith.shli %shift_right_arithmetic3A_256, %shift_left3A_257 : i32
    %sub3A_259 = arith.subi %add3A_254, %shift_left3A_258 : i32
    %get3A_260 = arith.index_cast %shift_left3A_258 : i32 to index
    %get3A_261 = tpu.vector_load %arg9[%get3A_260] {strides = array<i32>} : memref<2000xf32, #tpu.memory_space<vmem>>, vector<16xf32>,
    %get3A_262 = vector.shape_cast %get3A_261 : vector<16xf32> to vector<16xf32>
    %eq3A_263 = vector.broadcast %sub3A_259 : i32 to vector<16xi32>
    %eq3A_264 = arith.cmpi eq, %iota3A, %eq3A_263 : vector<16xi32>
    %jit3A_265 = arith.constant 1.000000e+00 : f32
    %broadcast_in_dim3A_266 = vector.broadcast %jit3A_265 : f32 to vector<16xf32>
    %select_n3A_267 = arith.select %eq3A_264, %broadcast_in_dim3A_266, %get3A_262 : vector<16xi1>, vector<16xf32>
    %swap3A_268 = arith.index_cast %shift_left3A_258 : i32 to index
    %swap3A_269 = tpu.vector_load %arg9[%swap3A_268] {strides = array<i32>} : memref<2000xf32, #tpu.memory_space<vmem>>, vector<16xf32>,
    %swap3A_270 = vector.shape_cast %swap3A_269 : vector<16xf32> to vector<16xf32>
    %swap3A_271 = vector.shape_cast %select_n3A_267 : vector<16xf32> to vector<16xf32>
    tpu.vector_store %arg9[%swap3A_268], %swap3A_271 {strides = array<i32>} : memref<2000xf32, #tpu.memory_space<vmem>>, vector<16xf32>,
    %slice3A_272 = vector.extract_strided_slice %get3A_250 {offsets = [1], sizes = [1], strides = [1]} : vector<16xi32> to vector<1xi32>
    %squeeze3A_273 = vector.extract %slice3A_272[0] : i32 from vector<1xi32>
    %add3A_274 = arith.constant 1000 : i32
    %add3A_275 = arith.addi %add3A_274, %squeeze3A_273 : i32
    %shift_right_arithmetic3A_276 = arith.constant 4 : i32
    %shift_right_arithmetic3A_277 = arith.shrsi %add3A_275, %shift_right_arithmetic3A_276 : i32
    %shift_left3A_278 = arith.constant 4 : i32
    %shift_left3A_279 = arith.shli %shift_right_arithmetic3A_277, %shift_left3A_278 : i32
    %sub3A_280 = arith.subi %add3A_275, %shift_left3A_279 : i32
    %get3A_281 = arith.index_cast %shift_left3A_279 : i32 to index
    %get3A_282 = tpu.vector_load %arg9[%get3A_281] {strides = array<i32>} : memref<2000xf32, #tpu.memory_space<vmem>>, vector<16xf32>,
    %get3A_283 = vector.shape_cast %get3A_282 : vector<16xf32> to vector<16xf32>
    %eq3A_284 = vector.broadcast %sub3A_280 : i32 to vector<16xi32>
    %eq3A_285 = arith.cmpi eq, %iota3A, %eq3A_284 : vector<16xi32>
    %jit3A_286 = arith.constant 1.000000e+00 : f32
    %broadcast_in_dim3A_287 = vector.broadcast %jit3A_286 : f32 to vector<16xf32>
    %select_n3A_288 = arith.select %eq3A_285, %broadcast_in_dim3A_287, %get3A_283 : vector<16xi1>, vector<16xf32>
    %swap3A_289 = arith.index_cast %shift_left3A_279 : i32 to index
    %swap3A_290 = tpu.vector_load %arg9[%swap3A_289] {strides = array<i32>} : memref<2000xf32, #tpu.memory_space<vmem>>, vector<16xf32>,
    %swap3A_291 = vector.shape_cast %swap3A_290 : vector<16xf32> to vector<16xf32>
    %swap3A_292 = vector.shape_cast %select_n3A_288 : vector<16xf32> to vector<16xf32>
    tpu.vector_store %arg9[%swap3A_289], %swap3A_292 {strides = array<i32>} : memref<2000xf32, #tpu.memory_space<vmem>>, vector<16xf32>,
    %add3A_293 = arith.constant 10000 : i32
    %add3A_294 = arith.addi %mul3A_4, %add3A_293 : i32
    %dma_start3A_295 = tpu.memref_slice %arg3[%add3A_294] : memref<81920000xf32, #tpu.memory_space<hbm>> -> memref<2000xf32, #tpu.memory_space<hbm>>
    %dma_start3A_296 = tpu.memref_slice %arg3[%add3A_294] : memref<81920000xf32, #tpu.memory_space<hbm>> -> memref<2000xf32, #tpu.memory_space<hbm>>
    tpu.enqueue_dma source(%arg9 : memref<2000xf32, #tpu.memory_space<vmem>>) target(%dma_start3A_296 : memref<2000xf32, #tpu.memory_space<hbm>>) target_semaphore(%arg18 : memref<!tpu.dma_semaphore, #tpu.memory_space<semaphore_mem>>)
    %get3A_297 = arith.constant 12 : index
    %get3A_298 = tpu.vector_load %arg12[%get3A_297] {strides = array<i32>} : memref<2576xi32, #tpu.memory_space<vmem>>, vector<16xi32>,
    %get3A_299 = vector.shape_cast %get3A_298 : vector<16xi32> to vector<16xi32>
    %slice3A_300 = vector.extract_strided_slice %get3A_299 {offsets = [0], sizes = [1], strides = [1]} : vector<16xi32> to vector<1xi32>
    %squeeze3A_301 = vector.extract %slice3A_300[0] : i32 from vector<1xi32>
    %add3A_302 = arith.constant 0 : i32
    %add3A_303 = arith.addi %add3A_302, %squeeze3A_301 : i32
    %shift_right_arithmetic3A_304 = arith.constant 4 : i32
    %shift_right_arithmetic3A_305 = arith.shrsi %add3A_303, %shift_right_arithmetic3A_304 : i32
    %shift_left3A_306 = arith.constant 4 : i32
    %shift_left3A_307 = arith.shli %shift_right_arithmetic3A_305, %shift_left3A_306 : i32
    %sub3A_308 = arith.subi %add3A_303, %shift_left3A_307 : i32
    %get3A_309 = arith.index_cast %shift_left3A_307 : i32 to index
    %get3A_310 = tpu.vector_load %arg10[%get3A_309] {strides = array<i32>} : memref<2000xf32, #tpu.memory_space<vmem>>, vector<16xf32>,
    %get3A_311 = vector.shape_cast %get3A_310 : vector<16xf32> to vector<16xf32>
    %eq3A_312 = vector.broadcast %sub3A_308 : i32 to vector<16xi32>
    %eq3A_313 = arith.cmpi eq, %iota3A, %eq3A_312 : vector<16xi32>
    %jit3A_314 = arith.constant 1.000000e+00 : f32
    %broadcast_in_dim3A_315 = vector.broadcast %jit3A_314 : f32 to vector<16xf32>
    %select_n3A_316 = arith.select %eq3A_313, %broadcast_in_dim3A_315, %get3A_311 : vector<16xi1>, vector<16xf32>
    %swap3A_317 = arith.index_cast %shift_left3A_307 : i32 to index
    %swap3A_318 = tpu.vector_load %arg10[%swap3A_317] {strides = array<i32>} : memref<2000xf32, #tpu.memory_space<vmem>>, vector<16xf32>,
    %swap3A_319 = vector.shape_cast %swap3A_318 : vector<16xf32> to vector<16xf32>
    %swap3A_320 = vector.shape_cast %select_n3A_316 : vector<16xf32> to vector<16xf32>
    tpu.vector_store %arg10[%swap3A_317], %swap3A_320 {strides = array<i32>} : memref<2000xf32, #tpu.memory_space<vmem>>, vector<16xf32>,
    %slice3A_321 = vector.extract_strided_slice %get3A_299 {offsets = [1], sizes = [1], strides = [1]} : vector<16xi32> to vector<1xi32>
    %squeeze3A_322 = vector.extract %slice3A_321[0] : i32 from vector<1xi32>
    %add3A_323 = arith.constant 1000 : i32
    %add3A_324 = arith.addi %add3A_323, %squeeze3A_322 : i32
    %shift_right_arithmetic3A_325 = arith.constant 4 : i32
    %shift_right_arithmetic3A_326 = arith.shrsi %add3A_324, %shift_right_arithmetic3A_325 : i32
    %shift_left3A_327 = arith.constant 4 : i32
    %shift_left3A_328 = arith.shli %shift_right_arithmetic3A_326, %shift_left3A_327 : i32
    %sub3A_329 = arith.subi %add3A_324, %shift_left3A_328 : i32
    %get3A_330 = arith.index_cast %shift_left3A_328 : i32 to index
    %get3A_331 = tpu.vector_load %arg10[%get3A_330] {strides = array<i32>} : memref<2000xf32, #tpu.memory_space<vmem>>, vector<16xf32>,
    %get3A_332 = vector.shape_cast %get3A_331 : vector<16xf32> to vector<16xf32>
    %eq3A_333 = vector.broadcast %sub3A_329 : i32 to vector<16xi32>
    %eq3A_334 = arith.cmpi eq, %iota3A, %eq3A_333 : vector<16xi32>
    %jit3A_335 = arith.constant 1.000000e+00 : f32
    %broadcast_in_dim3A_336 = vector.broadcast %jit3A_335 : f32 to vector<16xf32>
    %select_n3A_337 = arith.select %eq3A_334, %broadcast_in_dim3A_336, %get3A_332 : vector<16xi1>, vector<16xf32>
    %swap3A_338 = arith.index_cast %shift_left3A_328 : i32 to index
    %swap3A_339 = tpu.vector_load %arg10[%swap3A_338] {strides = array<i32>} : memref<2000xf32, #tpu.memory_space<vmem>>, vector<16xf32>,
    %swap3A_340 = vector.shape_cast %swap3A_339 : vector<16xf32> to vector<16xf32>
    %swap3A_341 = vector.shape_cast %select_n3A_337 : vector<16xf32> to vector<16xf32>
    tpu.vector_store %arg10[%swap3A_338], %swap3A_341 {strides = array<i32>} : memref<2000xf32, #tpu.memory_space<vmem>>, vector<16xf32>,
    %add3A_342 = arith.constant 12000 : i32
    %add3A_343 = arith.addi %mul3A_4, %add3A_342 : i32
    %dma_start3A_344 = tpu.memref_slice %arg3[%add3A_343] : memref<81920000xf32, #tpu.memory_space<hbm>> -> memref<2000xf32, #tpu.memory_space<hbm>>
    %dma_start3A_345 = tpu.memref_slice %arg3[%add3A_343] : memref<81920000xf32, #tpu.memory_space<hbm>> -> memref<2000xf32, #tpu.memory_space<hbm>>
    tpu.enqueue_dma source(%arg10 : memref<2000xf32, #tpu.memory_space<vmem>>) target(%dma_start3A_345 : memref<2000xf32, #tpu.memory_space<hbm>>) target_semaphore(%arg19 : memref<!tpu.dma_semaphore, #tpu.memory_space<semaphore_mem>>)
    %get3A_346 = arith.constant 14 : index
    %get3A_347 = tpu.vector_load %arg12[%get3A_346] {strides = array<i32>} : memref<2576xi32, #tpu.memory_space<vmem>>, vector<16xi32>,
    %get3A_348 = vector.shape_cast %get3A_347 : vector<16xi32> to vector<16xi32>
    %slice3A_349 = vector.extract_strided_slice %get3A_348 {offsets = [0], sizes = [1], strides = [1]} : vector<16xi32> to vector<1xi32>
    %squeeze3A_350 = vector.extract %slice3A_349[0] : i32 from vector<1xi32>
    %add3A_351 = arith.constant 0 : i32
    %add3A_352 = arith.addi %add3A_351, %squeeze3A_350 : i32
    %shift_right_arithmetic3A_353 = arith.constant 4 : i32
    %shift_right_arithmetic3A_354 = arith.shrsi %add3A_352, %shift_right_arithmetic3A_353 : i32
    %shift_left3A_355 = arith.constant 4 : i32
    %shift_left3A_356 = arith.shli %shift_right_arithmetic3A_354, %shift_left3A_355 : i32
    %sub3A_357 = arith.subi %add3A_352, %shift_left3A_356 : i32
    %get3A_358 = arith.index_cast %shift_left3A_356 : i32 to index
    %get3A_359 = tpu.vector_load %arg11[%get3A_358] {strides = array<i32>} : memref<2000xf32, #tpu.memory_space<vmem>>, vector<16xf32>,
    %get3A_360 = vector.shape_cast %get3A_359 : vector<16xf32> to vector<16xf32>
    %eq3A_361 = vector.broadcast %sub3A_357 : i32 to vector<16xi32>
    %eq3A_362 = arith.cmpi eq, %iota3A, %eq3A_361 : vector<16xi32>
    %jit3A_363 = arith.constant 1.000000e+00 : f32
    %broadcast_in_dim3A_364 = vector.broadcast %jit3A_363 : f32 to vector<16xf32>
    %select_n3A_365 = arith.select %eq3A_362, %broadcast_in_dim3A_364, %get3A_360 : vector<16xi1>, vector<16xf32>
    %swap3A_366 = arith.index_cast %shift_left3A_356 : i32 to index
    %swap3A_367 = tpu.vector_load %arg11[%swap3A_366] {strides = array<i32>} : memref<2000xf32, #tpu.memory_space<vmem>>, vector<16xf32>,
    %swap3A_368 = vector.shape_cast %swap3A_367 : vector<16xf32> to vector<16xf32>
    %swap3A_369 = vector.shape_cast %select_n3A_365 : vector<16xf32> to vector<16xf32>
    tpu.vector_store %arg11[%swap3A_366], %swap3A_369 {strides = array<i32>} : memref<2000xf32, #tpu.memory_space<vmem>>, vector<16xf32>,
    %slice3A_370 = vector.extract_strided_slice %get3A_348 {offsets = [1], sizes = [1], strides = [1]} : vector<16xi32> to vector<1xi32>
    %squeeze3A_371 = vector.extract %slice3A_370[0] : i32 from vector<1xi32>
    %add3A_372 = arith.constant 1000 : i32
    %add3A_373 = arith.addi %add3A_372, %squeeze3A_371 : i32
    %shift_right_arithmetic3A_374 = arith.constant 4 : i32
    %shift_right_arithmetic3A_375 = arith.shrsi %add3A_373, %shift_right_arithmetic3A_374 : i32
    %shift_left3A_376 = arith.constant 4 : i32
    %shift_left3A_377 = arith.shli %shift_right_arithmetic3A_375, %shift_left3A_376 : i32
    %sub3A_378 = arith.subi %add3A_373, %shift_left3A_377 : i32
    %get3A_379 = arith.index_cast %shift_left3A_377 : i32 to index
    %get3A_380 = tpu.vector_load %arg11[%get3A_379] {strides = array<i32>} : memref<2000xf32, #tpu.memory_space<vmem>>, vector<16xf32>,
    %get3A_381 = vector.shape_cast %get3A_380 : vector<16xf32> to vector<16xf32>
    %eq3A_382 = vector.broadcast %sub3A_378 : i32 to vector<16xi32>
    %eq3A_383 = arith.cmpi eq, %iota3A, %eq3A_382 : vector<16xi32>
    %jit3A_384 = arith.constant 1.000000e+00 : f32
    %broadcast_in_dim3A_385 = vector.broadcast %jit3A_384 : f32 to vector<16xf32>
    %select_n3A_386 = arith.select %eq3A_383, %broadcast_in_dim3A_385, %get3A_381 : vector<16xi1>, vector<16xf32>
    %swap3A_387 = arith.index_cast %shift_left3A_377 : i32 to index
    %swap3A_388 = tpu.vector_load %arg11[%swap3A_387] {strides = array<i32>} : memref<2000xf32, #tpu.memory_space<vmem>>, vector<16xf32>,
    %swap3A_389 = vector.shape_cast %swap3A_388 : vector<16xf32> to vector<16xf32>
    %swap3A_390 = vector.shape_cast %select_n3A_386 : vector<16xf32> to vector<16xf32>
    tpu.vector_store %arg11[%swap3A_387], %swap3A_390 {strides = array<i32>} : memref<2000xf32, #tpu.memory_space<vmem>>, vector<16xf32>,
    %add3A_391 = arith.constant 14000 : i32
    %add3A_392 = arith.addi %mul3A_4, %add3A_391 : i32
    %dma_start3A_393 = tpu.memref_slice %arg3[%add3A_392] : memref<81920000xf32, #tpu.memory_space<hbm>> -> memref<2000xf32, #tpu.memory_space<hbm>>
    %dma_start3A_394 = tpu.memref_slice %arg3[%add3A_392] : memref<81920000xf32, #tpu.memory_space<hbm>> -> memref<2000xf32, #tpu.memory_space<hbm>>
    tpu.enqueue_dma source(%arg11 : memref<2000xf32, #tpu.memory_space<vmem>>) target(%dma_start3A_394 : memref<2000xf32, #tpu.memory_space<hbm>>) target_semaphore(%arg20 : memref<!tpu.dma_semaphore, #tpu.memory_space<semaphore_mem>>)
    %scan3A_395 = arith.constant 0 : i32
    %scan3A_396 = arith.constant 1 : i32
    %scan3A_397 = arith.constant 159 : i32
    %scan3A_398 = arith.addi %scan3A_396, %scan3A_397 : i32
    %scan3A_399 = arith.constant 1 : i32
    %scan3A_400 = scf.for %scan3A_433 = %scan3A_396 to %scan3A_398 step %scan3A_399 iter_args(%scan3A_434 = %scan3A_395) -> (i32)  : i32 {
      %mul3A_435 = arith.constant 8 : i32
      %mul3A_436 = arith.muli %mul3A_435, %scan3A_433 : i32
      %add3A_437 = arith.constant 0 : i32
      %add3A_438 = arith.addi %mul3A_436, %add3A_437 : i32
      %sub3A_439 = arith.constant 8 : i32
      %sub3A_440 = arith.subi %add3A_438, %sub3A_439 : i32
      %mul3A_441 = arith.constant 2000 : i32
      %mul3A_442 = arith.muli %sub3A_440, %mul3A_441 : i32
      %add3A_443 = arith.addi %mul3A_4, %mul3A_442 : i32
      %dma_wait3A_444 = tpu.memref_slice %arg3[%add3A_443] : memref<81920000xf32, #tpu.memory_space<hbm>> -> memref<2000xf32, #tpu.memory_space<hbm>>
      %dma_wait3A_445 = tpu.memref_slice %arg3[%add3A_443] : memref<81920000xf32, #tpu.memory_space<hbm>> -> memref<2000xf32, #tpu.memory_space<hbm>>
      tpu.wait_dma2 semaphore(%arg13 : memref<!tpu.dma_semaphore, #tpu.memory_space<semaphore_mem>>) src(%arg4 : memref<2000xf32, #tpu.memory_space<vmem>>) dst(%dma_wait3A_445 : memref<2000xf32, #tpu.memory_space<hbm>>)
      %sub3A_446 = arith.constant 8 : i32
      %sub3A_447 = arith.subi %add3A_438, %sub3A_446 : i32
      %mul3A_448 = arith.constant 2 : i32
      %mul3A_449 = arith.muli %sub3A_447, %mul3A_448 : i32
      %add3A_450 = arith.constant 0 : i32
      %add3A_451 = arith.addi %mul3A_449, %add3A_450 : i32
      %get3A_452 = arith.index_cast %add3A_451 : i32 to index
      %get3A_453 = tpu.vector_load %arg12[%get3A_452] {strides = array<i32>} : memref<2576xi32, #tpu.memory_space<vmem>>, vector<16xi32>,
      %get3A_454 = vector.shape_cast %get3A_453 : vector<16xi32> to vector<16xi32>
      %slice3A_455 = vector.extract_strided_slice %get3A_454 {offsets = [0], sizes = [1], strides = [1]} : vector<16xi32> to vector<1xi32>
      %squeeze3A_456 = vector.extract %slice3A_455[0] : i32 from vector<1xi32>
      %add3A_457 = arith.constant 0 : i32
      %add3A_458 = arith.addi %add3A_457, %squeeze3A_456 : i32
      %shift_right_arithmetic3A_459 = arith.constant 4 : i32
      %shift_right_arithmetic3A_460 = arith.shrsi %add3A_458, %shift_right_arithmetic3A_459 : i32
      %shift_left3A_461 = arith.constant 4 : i32
      %shift_left3A_462 = arith.shli %shift_right_arithmetic3A_460, %shift_left3A_461 : i32
      %swap3A_463 = arith.index_cast %shift_left3A_462 : i32 to index
      %swap3A_464 = tpu.vector_load %arg4[%swap3A_463] {strides = array<i32>} : memref<2000xf32, #tpu.memory_space<vmem>>, vector<16xf32>,
      %swap3A_465 = vector.shape_cast %swap3A_464 : vector<16xf32> to vector<16xf32>
      %swap3A_466 = vector.shape_cast %broadcast_in_dim3A_7 : vector<16xf32> to vector<16xf32>
      tpu.vector_store %arg4[%swap3A_463], %swap3A_466 {strides = array<i32>} : memref<2000xf32, #tpu.memory_space<vmem>>, vector<16xf32>,
      %slice3A_467 = vector.extract_strided_slice %get3A_454 {offsets = [1], sizes = [1], strides = [1]} : vector<16xi32> to vector<1xi32>
      %squeeze3A_468 = vector.extract %slice3A_467[0] : i32 from vector<1xi32>
      %add3A_469 = arith.constant 1000 : i32
      %add3A_470 = arith.addi %add3A_469, %squeeze3A_468 : i32
      %shift_right_arithmetic3A_471 = arith.constant 4 : i32
      %shift_right_arithmetic3A_472 = arith.shrsi %add3A_470, %shift_right_arithmetic3A_471 : i32
      %shift_left3A_473 = arith.constant 4 : i32
      %shift_left3A_474 = arith.shli %shift_right_arithmetic3A_472, %shift_left3A_473 : i32
      %swap3A_475 = arith.index_cast %shift_left3A_474 : i32 to index
      %swap3A_476 = tpu.vector_load %arg4[%swap3A_475] {strides = array<i32>} : memref<2000xf32, #tpu.memory_space<vmem>>, vector<16xf32>,
      %swap3A_477 = vector.shape_cast %swap3A_476 : vector<16xf32> to vector<16xf32>
      %swap3A_478 = vector.shape_cast %broadcast_in_dim3A_7 : vector<16xf32> to vector<16xf32>
      tpu.vector_store %arg4[%swap3A_475], %swap3A_478 {strides = array<i32>} : memref<2000xf32, #tpu.memory_space<vmem>>, vector<16xf32>,
      %mul3A_479 = arith.constant 2 : i32
      %mul3A_480 = arith.muli %add3A_438, %mul3A_479 : i32
      %add3A_481 = arith.constant 0 : i32
      %add3A_482 = arith.addi %mul3A_480, %add3A_481 : i32
      %get3A_483 = arith.index_cast %add3A_482 : i32 to index
      %get3A_484 = tpu.vector_load %arg12[%get3A_483] {strides = array<i32>} : memref<2576xi32, #tpu.memory_space<vmem>>, vector<16xi32>,
      %get3A_485 = vector.shape_cast %get3A_484 : vector<16xi32> to vector<16xi32>
      %slice3A_486 = vector.extract_strided_slice %get3A_485 {offsets = [0], sizes = [1], strides = [1]} : vector<16xi32> to vector<1xi32>
      %squeeze3A_487 = vector.extract %slice3A_486[0] : i32 from vector<1xi32>
      %add3A_488 = arith.constant 0 : i32
      %add3A_489 = arith.addi %add3A_488, %squeeze3A_487 : i32
      %shift_right_arithmetic3A_490 = arith.constant 4 : i32
      %shift_right_arithmetic3A_491 = arith.shrsi %add3A_489, %shift_right_arithmetic3A_490 : i32
      %shift_left3A_492 = arith.constant 4 : i32
      %shift_left3A_493 = arith.shli %shift_right_arithmetic3A_491, %shift_left3A_492 : i32
      %sub3A_494 = arith.subi %add3A_489, %shift_left3A_493 : i32
      %get3A_495 = arith.index_cast %shift_left3A_493 : i32 to index
      %get3A_496 = tpu.vector_load %arg4[%get3A_495] {strides = array<i32>} : memref<2000xf32, #tpu.memory_space<vmem>>, vector<16xf32>,
      %get3A_497 = vector.shape_cast %get3A_496 : vector<16xf32> to vector<16xf32>
      %eq3A_498 = vector.broadcast %sub3A_494 : i32 to vector<16xi32>
      %eq3A_499 = arith.cmpi eq, %iota3A, %eq3A_498 : vector<16xi32>
      %jit3A_500 = arith.constant 1.000000e+00 : f32
      %broadcast_in_dim3A_501 = vector.broadcast %jit3A_500 : f32 to vector<16xf32>
      %select_n3A_502 = arith.select %eq3A_499, %broadcast_in_dim3A_501, %get3A_497 : vector<16xi1>, vector<16xf32>
      %swap3A_503 = arith.index_cast %shift_left3A_493 : i32 to index
      %swap3A_504 = tpu.vector_load %arg4[%swap3A_503] {strides = array<i32>} : memref<2000xf32, #tpu.memory_space<vmem>>, vector<16xf32>,
      %swap3A_505 = vector.shape_cast %swap3A_504 : vector<16xf32> to vector<16xf32>
      %swap3A_506 = vector.shape_cast %select_n3A_502 : vector<16xf32> to vector<16xf32>
      tpu.vector_store %arg4[%swap3A_503], %swap3A_506 {strides = array<i32>} : memref<2000xf32, #tpu.memory_space<vmem>>, vector<16xf32>,
      %slice3A_507 = vector.extract_strided_slice %get3A_485 {offsets = [1], sizes = [1], strides = [1]} : vector<16xi32> to vector<1xi32>
      %squeeze3A_508 = vector.extract %slice3A_507[0] : i32 from vector<1xi32>
      %add3A_509 = arith.constant 1000 : i32
      %add3A_510 = arith.addi %add3A_509, %squeeze3A_508 : i32
      %shift_right_arithmetic3A_511 = arith.constant 4 : i32
      %shift_right_arithmetic3A_512 = arith.shrsi %add3A_510, %shift_right_arithmetic3A_511 : i32
      %shift_left3A_513 = arith.constant 4 : i32
      %shift_left3A_514 = arith.shli %shift_right_arithmetic3A_512, %shift_left3A_513 : i32
      %sub3A_515 = arith.subi %add3A_510, %shift_left3A_514 : i32
      %get3A_516 = arith.index_cast %shift_left3A_514 : i32 to index
      %get3A_517 = tpu.vector_load %arg4[%get3A_516] {strides = array<i32>} : memref<2000xf32, #tpu.memory_space<vmem>>, vector<16xf32>,
      %get3A_518 = vector.shape_cast %get3A_517 : vector<16xf32> to vector<16xf32>
      %eq3A_519 = vector.broadcast %sub3A_515 : i32 to vector<16xi32>
      %eq3A_520 = arith.cmpi eq, %iota3A, %eq3A_519 : vector<16xi32>
      %jit3A_521 = arith.constant 1.000000e+00 : f32
      %broadcast_in_dim3A_522 = vector.broadcast %jit3A_521 : f32 to vector<16xf32>
      %select_n3A_523 = arith.select %eq3A_520, %broadcast_in_dim3A_522, %get3A_518 : vector<16xi1>, vector<16xf32>
      %swap3A_524 = arith.index_cast %shift_left3A_514 : i32 to index
      %swap3A_525 = tpu.vector_load %arg4[%swap3A_524] {strides = array<i32>} : memref<2000xf32, #tpu.memory_space<vmem>>, vector<16xf32>,
      %swap3A_526 = vector.shape_cast %swap3A_525 : vector<16xf32> to vector<16xf32>
      %swap3A_527 = vector.shape_cast %select_n3A_523 : vector<16xf32> to vector<16xf32>
      tpu.vector_store %arg4[%swap3A_524], %swap3A_527 {strides = array<i32>} : memref<2000xf32, #tpu.memory_space<vmem>>, vector<16xf32>,
      %mul3A_528 = arith.constant 2000 : i32
      %mul3A_529 = arith.muli %add3A_438, %mul3A_528 : i32
      %add3A_530 = arith.addi %mul3A_4, %mul3A_529 : i32
      %dma_start3A_531 = tpu.memref_slice %arg3[%add3A_530] : memref<81920000xf32, #tpu.memory_space<hbm>> -> memref<2000xf32, #tpu.memory_space<hbm>>
      %dma_start3A_532 = tpu.memref_slice %arg3[%add3A_530] : memref<81920000xf32, #tpu.memory_space<hbm>> -> memref<2000xf32, #tpu.memory_space<hbm>>
      tpu.enqueue_dma source(%arg4 : memref<2000xf32, #tpu.memory_space<vmem>>) target(%dma_start3A_532 : memref<2000xf32, #tpu.memory_space<hbm>>) target_semaphore(%arg13 : memref<!tpu.dma_semaphore, #tpu.memory_space<semaphore_mem>>)
      %mul3A_533 = arith.constant 8 : i32
      %mul3A_534 = arith.muli %mul3A_533, %scan3A_433 : i32
      %add3A_535 = arith.constant 1 : i32
      %add3A_536 = arith.addi %mul3A_534, %add3A_535 : i32
      %sub3A_537 = arith.constant 8 : i32
      %sub3A_538 = arith.subi %add3A_536, %sub3A_537 : i32
      %mul3A_539 = arith.constant 2000 : i32
      %mul3A_540 = arith.muli %sub3A_538, %mul3A_539 : i32
      %add3A_541 = arith.addi %mul3A_4, %mul3A_540 : i32
      %dma_wait3A_542 = tpu.memref_slice %arg3[%add3A_541] : memref<81920000xf32, #tpu.memory_space<hbm>> -> memref<2000xf32, #tpu.memory_space<hbm>>
      %dma_wait3A_543 = tpu.memref_slice %arg3[%add3A_541] : memref<81920000xf32, #tpu.memory_space<hbm>> -> memref<2000xf32, #tpu.memory_space<hbm>>
      tpu.wait_dma2 semaphore(%arg14 : memref<!tpu.dma_semaphore, #tpu.memory_space<semaphore_mem>>) src(%arg5 : memref<2000xf32, #tpu.memory_space<vmem>>) dst(%dma_wait3A_543 : memref<2000xf32, #tpu.memory_space<hbm>>)
      %sub3A_544 = arith.constant 8 : i32
      %sub3A_545 = arith.subi %add3A_536, %sub3A_544 : i32
      %mul3A_546 = arith.constant 2 : i32
      %mul3A_547 = arith.muli %sub3A_545, %mul3A_546 : i32
      %add3A_548 = arith.constant 0 : i32
      %add3A_549 = arith.addi %mul3A_547, %add3A_548 : i32
      %get3A_550 = arith.index_cast %add3A_549 : i32 to index
      %get3A_551 = tpu.vector_load %arg12[%get3A_550] {strides = array<i32>} : memref<2576xi32, #tpu.memory_space<vmem>>, vector<16xi32>,
      %get3A_552 = vector.shape_cast %get3A_551 : vector<16xi32> to vector<16xi32>
      %slice3A_553 = vector.extract_strided_slice %get3A_552 {offsets = [0], sizes = [1], strides = [1]} : vector<16xi32> to vector<1xi32>
      %squeeze3A_554 = vector.extract %slice3A_553[0] : i32 from vector<1xi32>
      %add3A_555 = arith.constant 0 : i32
      %add3A_556 = arith.addi %add3A_555, %squeeze3A_554 : i32
      %shift_right_arithmetic3A_557 = arith.constant 4 : i32
      %shift_right_arithmetic3A_558 = arith.shrsi %add3A_556, %shift_right_arithmetic3A_557 : i32
      %shift_left3A_559 = arith.constant 4 : i32
      %shift_left3A_560 = arith.shli %shift_right_arithmetic3A_558, %shift_left3A_559 : i32
      %swap3A_561 = arith.index_cast %shift_left3A_560 : i32 to index
      %swap3A_562 = tpu.vector_load %arg5[%swap3A_561] {strides = array<i32>} : memref<2000xf32, #tpu.memory_space<vmem>>, vector<16xf32>,
      %swap3A_563 = vector.shape_cast %swap3A_562 : vector<16xf32> to vector<16xf32>
      %swap3A_564 = vector.shape_cast %broadcast_in_dim3A_7 : vector<16xf32> to vector<16xf32>
      tpu.vector_store %arg5[%swap3A_561], %swap3A_564 {strides = array<i32>} : memref<2000xf32, #tpu.memory_space<vmem>>, vector<16xf32>,
      %slice3A_565 = vector.extract_strided_slice %get3A_552 {offsets = [1], sizes = [1], strides = [1]} : vector<16xi32> to vector<1xi32>
      %squeeze3A_566 = vector.extract %slice3A_565[0] : i32 from vector<1xi32>
      %add3A_567 = arith.constant 1000 : i32
      %add3A_568 = arith.addi %add3A_567, %squeeze3A_566 : i32
      %shift_right_arithmetic3A_569 = arith.constant 4 : i32
      %shift_right_arithmetic3A_570 = arith.shrsi %add3A_568, %shift_right_arithmetic3A_569 : i32
      %shift_left3A_571 = arith.constant 4 : i32
      %shift_left3A_572 = arith.shli %shift_right_arithmetic3A_570, %shift_left3A_571 : i32
      %swap3A_573 = arith.index_cast %shift_left3A_572 : i32 to index
      %swap3A_574 = tpu.vector_load %arg5[%swap3A_573] {strides = array<i32>} : memref<2000xf32, #tpu.memory_space<vmem>>, vector<16xf32>,
      %swap3A_575 = vector.shape_cast %swap3A_574 : vector<16xf32> to vector<16xf32>
      %swap3A_576 = vector.shape_cast %broadcast_in_dim3A_7 : vector<16xf32> to vector<16xf32>
      tpu.vector_store %arg5[%swap3A_573], %swap3A_576 {strides = array<i32>} : memref<2000xf32, #tpu.memory_space<vmem>>, vector<16xf32>,
      %mul3A_577 = arith.constant 2 : i32
      %mul3A_578 = arith.muli %add3A_536, %mul3A_577 : i32
      %add3A_579 = arith.constant 0 : i32
      %add3A_580 = arith.addi %mul3A_578, %add3A_579 : i32
      %get3A_581 = arith.index_cast %add3A_580 : i32 to index
      %get3A_582 = tpu.vector_load %arg12[%get3A_581] {strides = array<i32>} : memref<2576xi32, #tpu.memory_space<vmem>>, vector<16xi32>,
      %get3A_583 = vector.shape_cast %get3A_582 : vector<16xi32> to vector<16xi32>
      %slice3A_584 = vector.extract_strided_slice %get3A_583 {offsets = [0], sizes = [1], strides = [1]} : vector<16xi32> to vector<1xi32>
      %squeeze3A_585 = vector.extract %slice3A_584[0] : i32 from vector<1xi32>
      %add3A_586 = arith.constant 0 : i32
      %add3A_587 = arith.addi %add3A_586, %squeeze3A_585 : i32
      %shift_right_arithmetic3A_588 = arith.constant 4 : i32
      %shift_right_arithmetic3A_589 = arith.shrsi %add3A_587, %shift_right_arithmetic3A_588 : i32
      %shift_left3A_590 = arith.constant 4 : i32
      %shift_left3A_591 = arith.shli %shift_right_arithmetic3A_589, %shift_left3A_590 : i32
      %sub3A_592 = arith.subi %add3A_587, %shift_left3A_591 : i32
      %get3A_593 = arith.index_cast %shift_left3A_591 : i32 to index
      %get3A_594 = tpu.vector_load %arg5[%get3A_593] {strides = array<i32>} : memref<2000xf32, #tpu.memory_space<vmem>>, vector<16xf32>,
      %get3A_595 = vector.shape_cast %get3A_594 : vector<16xf32> to vector<16xf32>
      %eq3A_596 = vector.broadcast %sub3A_592 : i32 to vector<16xi32>
      %eq3A_597 = arith.cmpi eq, %iota3A, %eq3A_596 : vector<16xi32>
      %jit3A_598 = arith.constant 1.000000e+00 : f32
      %broadcast_in_dim3A_599 = vector.broadcast %jit3A_598 : f32 to vector<16xf32>
      %select_n3A_600 = arith.select %eq3A_597, %broadcast_in_dim3A_599, %get3A_595 : vector<16xi1>, vector<16xf32>
      %swap3A_601 = arith.index_cast %shift_left3A_591 : i32 to index
      %swap3A_602 = tpu.vector_load %arg5[%swap3A_601] {strides = array<i32>} : memref<2000xf32, #tpu.memory_space<vmem>>, vector<16xf32>,
      %swap3A_603 = vector.shape_cast %swap3A_602 : vector<16xf32> to vector<16xf32>
      %swap3A_604 = vector.shape_cast %select_n3A_600 : vector<16xf32> to vector<16xf32>
      tpu.vector_store %arg5[%swap3A_601], %swap3A_604 {strides = array<i32>} : memref<2000xf32, #tpu.memory_space<vmem>>, vector<16xf32>,
      %slice3A_605 = vector.extract_strided_slice %get3A_583 {offsets = [1], sizes = [1], strides = [1]} : vector<16xi32> to vector<1xi32>
      %squeeze3A_606 = vector.extract %slice3A_605[0] : i32 from vector<1xi32>
      %add3A_607 = arith.constant 1000 : i32
      %add3A_608 = arith.addi %add3A_607, %squeeze3A_606 : i32
      %shift_right_arithmetic3A_609 = arith.constant 4 : i32
      %shift_right_arithmetic3A_610 = arith.shrsi %add3A_608, %shift_right_arithmetic3A_609 : i32
      %shift_left3A_611 = arith.constant 4 : i32
      %shift_left3A_612 = arith.shli %shift_right_arithmetic3A_610, %shift_left3A_611 : i32
      %sub3A_613 = arith.subi %add3A_608, %shift_left3A_612 : i32
      %get3A_614 = arith.index_cast %shift_left3A_612 : i32 to index
      %get3A_615 = tpu.vector_load %arg5[%get3A_614] {strides = array<i32>} : memref<2000xf32, #tpu.memory_space<vmem>>, vector<16xf32>,
      %get3A_616 = vector.shape_cast %get3A_615 : vector<16xf32> to vector<16xf32>
      %eq3A_617 = vector.broadcast %sub3A_613 : i32 to vector<16xi32>
      %eq3A_618 = arith.cmpi eq, %iota3A, %eq3A_617 : vector<16xi32>
      %jit3A_619 = arith.constant 1.000000e+00 : f32
      %broadcast_in_dim3A_620 = vector.broadcast %jit3A_619 : f32 to vector<16xf32>
      %select_n3A_621 = arith.select %eq3A_618, %broadcast_in_dim3A_620, %get3A_616 : vector<16xi1>, vector<16xf32>
      %swap3A_622 = arith.index_cast %shift_left3A_612 : i32 to index
      %swap3A_623 = tpu.vector_load %arg5[%swap3A_622] {strides = array<i32>} : memref<2000xf32, #tpu.memory_space<vmem>>, vector<16xf32>,
      %swap3A_624 = vector.shape_cast %swap3A_623 : vector<16xf32> to vector<16xf32>
      %swap3A_625 = vector.shape_cast %select_n3A_621 : vector<16xf32> to vector<16xf32>
      tpu.vector_store %arg5[%swap3A_622], %swap3A_625 {strides = array<i32>} : memref<2000xf32, #tpu.memory_space<vmem>>, vector<16xf32>,
      %mul3A_626 = arith.constant 2000 : i32
      %mul3A_627 = arith.muli %add3A_536, %mul3A_626 : i32
      %add3A_628 = arith.addi %mul3A_4, %mul3A_627 : i32
      %dma_start3A_629 = tpu.memref_slice %arg3[%add3A_628] : memref<81920000xf32, #tpu.memory_space<hbm>> -> memref<2000xf32, #tpu.memory_space<hbm>>
      %dma_start3A_630 = tpu.memref_slice %arg3[%add3A_628] : memref<81920000xf32, #tpu.memory_space<hbm>> -> memref<2000xf32, #tpu.memory_space<hbm>>
      tpu.enqueue_dma source(%arg5 : memref<2000xf32, #tpu.memory_space<vmem>>) target(%dma_start3A_630 : memref<2000xf32, #tpu.memory_space<hbm>>) target_semaphore(%arg14 : memref<!tpu.dma_semaphore, #tpu.memory_space<semaphore_mem>>)
      %mul3A_631 = arith.constant 8 : i32
      %mul3A_632 = arith.muli %mul3A_631, %scan3A_433 : i32
      %add3A_633 = arith.constant 2 : i32
      %add3A_634 = arith.addi %mul3A_632, %add3A_633 : i32
      %sub3A_635 = arith.constant 8 : i32
      %sub3A_636 = arith.subi %add3A_634, %sub3A_635 : i32
      %mul3A_637 = arith.constant 2000 : i32
      %mul3A_638 = arith.muli %sub3A_636, %mul3A_637 : i32
      %add3A_639 = arith.addi %mul3A_4, %mul3A_638 : i32
      %dma_wait3A_640 = tpu.memref_slice %arg3[%add3A_639] : memref<81920000xf32, #tpu.memory_space<hbm>> -> memref<2000xf32, #tpu.memory_space<hbm>>
      %dma_wait3A_641 = tpu.memref_slice %arg3[%add3A_639] : memref<81920000xf32, #tpu.memory_space<hbm>> -> memref<2000xf32, #tpu.memory_space<hbm>>
      tpu.wait_dma2 semaphore(%arg15 : memref<!tpu.dma_semaphore, #tpu.memory_space<semaphore_mem>>) src(%arg6 : memref<2000xf32, #tpu.memory_space<vmem>>) dst(%dma_wait3A_641 : memref<2000xf32, #tpu.memory_space<hbm>>)
      %sub3A_642 = arith.constant 8 : i32
      %sub3A_643 = arith.subi %add3A_634, %sub3A_642 : i32
      %mul3A_644 = arith.constant 2 : i32
      %mul3A_645 = arith.muli %sub3A_643, %mul3A_644 : i32
      %add3A_646 = arith.constant 0 : i32
      %add3A_647 = arith.addi %mul3A_645, %add3A_646 : i32
      %get3A_648 = arith.index_cast %add3A_647 : i32 to index
      %get3A_649 = tpu.vector_load %arg12[%get3A_648] {strides = array<i32>} : memref<2576xi32, #tpu.memory_space<vmem>>, vector<16xi32>,
      %get3A_650 = vector.shape_cast %get3A_649 : vector<16xi32> to vector<16xi32>
      %slice3A_651 = vector.extract_strided_slice %get3A_650 {offsets = [0], sizes = [1], strides = [1]} : vector<16xi32> to vector<1xi32>
      %squeeze3A_652 = vector.extract %slice3A_651[0] : i32 from vector<1xi32>
      %add3A_653 = arith.constant 0 : i32
      %add3A_654 = arith.addi %add3A_653, %squeeze3A_652 : i32
      %shift_right_arithmetic3A_655 = arith.constant 4 : i32
      %shift_right_arithmetic3A_656 = arith.shrsi %add3A_654, %shift_right_arithmetic3A_655 : i32
      %shift_left3A_657 = arith.constant 4 : i32
      %shift_left3A_658 = arith.shli %shift_right_arithmetic3A_656, %shift_left3A_657 : i32
      %swap3A_659 = arith.index_cast %shift_left3A_658 : i32 to index
      %swap3A_660 = tpu.vector_load %arg6[%swap3A_659] {strides = array<i32>} : memref<2000xf32, #tpu.memory_space<vmem>>, vector<16xf32>,
      %swap3A_661 = vector.shape_cast %swap3A_660 : vector<16xf32> to vector<16xf32>
      %swap3A_662 = vector.shape_cast %broadcast_in_dim3A_7 : vector<16xf32> to vector<16xf32>
      tpu.vector_store %arg6[%swap3A_659], %swap3A_662 {strides = array<i32>} : memref<2000xf32, #tpu.memory_space<vmem>>, vector<16xf32>,
      %slice3A_663 = vector.extract_strided_slice %get3A_650 {offsets = [1], sizes = [1], strides = [1]} : vector<16xi32> to vector<1xi32>
      %squeeze3A_664 = vector.extract %slice3A_663[0] : i32 from vector<1xi32>
      %add3A_665 = arith.constant 1000 : i32
      %add3A_666 = arith.addi %add3A_665, %squeeze3A_664 : i32
      %shift_right_arithmetic3A_667 = arith.constant 4 : i32
      %shift_right_arithmetic3A_668 = arith.shrsi %add3A_666, %shift_right_arithmetic3A_667 : i32
      %shift_left3A_669 = arith.constant 4 : i32
      %shift_left3A_670 = arith.shli %shift_right_arithmetic3A_668, %shift_left3A_669 : i32
      %swap3A_671 = arith.index_cast %shift_left3A_670 : i32 to index
      %swap3A_672 = tpu.vector_load %arg6[%swap3A_671] {strides = array<i32>} : memref<2000xf32, #tpu.memory_space<vmem>>, vector<16xf32>,
      %swap3A_673 = vector.shape_cast %swap3A_672 : vector<16xf32> to vector<16xf32>
      %swap3A_674 = vector.shape_cast %broadcast_in_dim3A_7 : vector<16xf32> to vector<16xf32>
      tpu.vector_store %arg6[%swap3A_671], %swap3A_674 {strides = array<i32>} : memref<2000xf32, #tpu.memory_space<vmem>>, vector<16xf32>,
      %mul3A_675 = arith.constant 2 : i32
      %mul3A_676 = arith.muli %add3A_634, %mul3A_675 : i32
      %add3A_677 = arith.constant 0 : i32
      %add3A_678 = arith.addi %mul3A_676, %add3A_677 : i32
      %get3A_679 = arith.index_cast %add3A_678 : i32 to index
      %get3A_680 = tpu.vector_load %arg12[%get3A_679] {strides = array<i32>} : memref<2576xi32, #tpu.memory_space<vmem>>, vector<16xi32>,
      %get3A_681 = vector.shape_cast %get3A_680 : vector<16xi32> to vector<16xi32>
      %slice3A_682 = vector.extract_strided_slice %get3A_681 {offsets = [0], sizes = [1], strides = [1]} : vector<16xi32> to vector<1xi32>
      %squeeze3A_683 = vector.extract %slice3A_682[0] : i32 from vector<1xi32>
      %add3A_684 = arith.constant 0 : i32
      %add3A_685 = arith.addi %add3A_684, %squeeze3A_683 : i32
      %shift_right_arithmetic3A_686 = arith.constant 4 : i32
      %shift_right_arithmetic3A_687 = arith.shrsi %add3A_685, %shift_right_arithmetic3A_686 : i32
      %shift_left3A_688 = arith.constant 4 : i32
      %shift_left3A_689 = arith.shli %shift_right_arithmetic3A_687, %shift_left3A_688 : i32
      %sub3A_690 = arith.subi %add3A_685, %shift_left3A_689 : i32
      %get3A_691 = arith.index_cast %shift_left3A_689 : i32 to index
      %get3A_692 = tpu.vector_load %arg6[%get3A_691] {strides = array<i32>} : memref<2000xf32, #tpu.memory_space<vmem>>, vector<16xf32>,
      %get3A_693 = vector.shape_cast %get3A_692 : vector<16xf32> to vector<16xf32>
      %eq3A_694 = vector.broadcast %sub3A_690 : i32 to vector<16xi32>
      %eq3A_695 = arith.cmpi eq, %iota3A, %eq3A_694 : vector<16xi32>
      %jit3A_696 = arith.constant 1.000000e+00 : f32
      %broadcast_in_dim3A_697 = vector.broadcast %jit3A_696 : f32 to vector<16xf32>
      %select_n3A_698 = arith.select %eq3A_695, %broadcast_in_dim3A_697, %get3A_693 : vector<16xi1>, vector<16xf32>
      %swap3A_699 = arith.index_cast %shift_left3A_689 : i32 to index
      %swap3A_700 = tpu.vector_load %arg6[%swap3A_699] {strides = array<i32>} : memref<2000xf32, #tpu.memory_space<vmem>>, vector<16xf32>,
      %swap3A_701 = vector.shape_cast %swap3A_700 : vector<16xf32> to vector<16xf32>
      %swap3A_702 = vector.shape_cast %select_n3A_698 : vector<16xf32> to vector<16xf32>
      tpu.vector_store %arg6[%swap3A_699], %swap3A_702 {strides = array<i32>} : memref<2000xf32, #tpu.memory_space<vmem>>, vector<16xf32>,
      %slice3A_703 = vector.extract_strided_slice %get3A_681 {offsets = [1], sizes = [1], strides = [1]} : vector<16xi32> to vector<1xi32>
      %squeeze3A_704 = vector.extract %slice3A_703[0] : i32 from vector<1xi32>
      %add3A_705 = arith.constant 1000 : i32
      %add3A_706 = arith.addi %add3A_705, %squeeze3A_704 : i32
      %shift_right_arithmetic3A_707 = arith.constant 4 : i32
      %shift_right_arithmetic3A_708 = arith.shrsi %add3A_706, %shift_right_arithmetic3A_707 : i32
      %shift_left3A_709 = arith.constant 4 : i32
      %shift_left3A_710 = arith.shli %shift_right_arithmetic3A_708, %shift_left3A_709 : i32
      %sub3A_711 = arith.subi %add3A_706, %shift_left3A_710 : i32
      %get3A_712 = arith.index_cast %shift_left3A_710 : i32 to index
      %get3A_713 = tpu.vector_load %arg6[%get3A_712] {strides = array<i32>} : memref<2000xf32, #tpu.memory_space<vmem>>, vector<16xf32>,
      %get3A_714 = vector.shape_cast %get3A_713 : vector<16xf32> to vector<16xf32>
      %eq3A_715 = vector.broadcast %sub3A_711 : i32 to vector<16xi32>
      %eq3A_716 = arith.cmpi eq, %iota3A, %eq3A_715 : vector<16xi32>
      %jit3A_717 = arith.constant 1.000000e+00 : f32
      %broadcast_in_dim3A_718 = vector.broadcast %jit3A_717 : f32 to vector<16xf32>
      %select_n3A_719 = arith.select %eq3A_716, %broadcast_in_dim3A_718, %get3A_714 : vector<16xi1>, vector<16xf32>
      %swap3A_720 = arith.index_cast %shift_left3A_710 : i32 to index
      %swap3A_721 = tpu.vector_load %arg6[%swap3A_720] {strides = array<i32>} : memref<2000xf32, #tpu.memory_space<vmem>>, vector<16xf32>,
      %swap3A_722 = vector.shape_cast %swap3A_721 : vector<16xf32> to vector<16xf32>
      %swap3A_723 = vector.shape_cast %select_n3A_719 : vector<16xf32> to vector<16xf32>
      tpu.vector_store %arg6[%swap3A_720], %swap3A_723 {strides = array<i32>} : memref<2000xf32, #tpu.memory_space<vmem>>, vector<16xf32>,
      %mul3A_724 = arith.constant 2000 : i32
      %mul3A_725 = arith.muli %add3A_634, %mul3A_724 : i32
      %add3A_726 = arith.addi %mul3A_4, %mul3A_725 : i32
      %dma_start3A_727 = tpu.memref_slice %arg3[%add3A_726] : memref<81920000xf32, #tpu.memory_space<hbm>> -> memref<2000xf32, #tpu.memory_space<hbm>>
      %dma_start3A_728 = tpu.memref_slice %arg3[%add3A_726] : memref<81920000xf32, #tpu.memory_space<hbm>> -> memref<2000xf32, #tpu.memory_space<hbm>>
      tpu.enqueue_dma source(%arg6 : memref<2000xf32, #tpu.memory_space<vmem>>) target(%dma_start3A_728 : memref<2000xf32, #tpu.memory_space<hbm>>) target_semaphore(%arg15 : memref<!tpu.dma_semaphore, #tpu.memory_space<semaphore_mem>>)
      %mul3A_729 = arith.constant 8 : i32
      %mul3A_730 = arith.muli %mul3A_729, %scan3A_433 : i32
      %add3A_731 = arith.constant 3 : i32
      %add3A_732 = arith.addi %mul3A_730, %add3A_731 : i32
      %sub3A_733 = arith.constant 8 : i32
      %sub3A_734 = arith.subi %add3A_732, %sub3A_733 : i32
      %mul3A_735 = arith.constant 2000 : i32
      %mul3A_736 = arith.muli %sub3A_734, %mul3A_735 : i32
      %add3A_737 = arith.addi %mul3A_4, %mul3A_736 : i32
      %dma_wait3A_738 = tpu.memref_slice %arg3[%add3A_737] : memref<81920000xf32, #tpu.memory_space<hbm>> -> memref<2000xf32, #tpu.memory_space<hbm>>
      %dma_wait3A_739 = tpu.memref_slice %arg3[%add3A_737] : memref<81920000xf32, #tpu.memory_space<hbm>> -> memref<2000xf32, #tpu.memory_space<hbm>>
      tpu.wait_dma2 semaphore(%arg16 : memref<!tpu.dma_semaphore, #tpu.memory_space<semaphore_mem>>) src(%arg7 : memref<2000xf32, #tpu.memory_space<vmem>>) dst(%dma_wait3A_739 : memref<2000xf32, #tpu.memory_space<hbm>>)
      %sub3A_740 = arith.constant 8 : i32
      %sub3A_741 = arith.subi %add3A_732, %sub3A_740 : i32
      %mul3A_742 = arith.constant 2 : i32
      %mul3A_743 = arith.muli %sub3A_741, %mul3A_742 : i32
      %add3A_744 = arith.constant 0 : i32
      %add3A_745 = arith.addi %mul3A_743, %add3A_744 : i32
      %get3A_746 = arith.index_cast %add3A_745 : i32 to index
      %get3A_747 = tpu.vector_load %arg12[%get3A_746] {strides = array<i32>} : memref<2576xi32, #tpu.memory_space<vmem>>, vector<16xi32>,
      %get3A_748 = vector.shape_cast %get3A_747 : vector<16xi32> to vector<16xi32>
      %slice3A_749 = vector.extract_strided_slice %get3A_748 {offsets = [0], sizes = [1], strides = [1]} : vector<16xi32> to vector<1xi32>
      %squeeze3A_750 = vector.extract %slice3A_749[0] : i32 from vector<1xi32>
      %add3A_751 = arith.constant 0 : i32
      %add3A_752 = arith.addi %add3A_751, %squeeze3A_750 : i32
      %shift_right_arithmetic3A_753 = arith.constant 4 : i32
      %shift_right_arithmetic3A_754 = arith.shrsi %add3A_752, %shift_right_arithmetic3A_753 : i32
      %shift_left3A_755 = arith.constant 4 : i32
      %shift_left3A_756 = arith.shli %shift_right_arithmetic3A_754, %shift_left3A_755 : i32
      %swap3A_757 = arith.index_cast %shift_left3A_756 : i32 to index
      %swap3A_758 = tpu.vector_load %arg7[%swap3A_757] {strides = array<i32>} : memref<2000xf32, #tpu.memory_space<vmem>>, vector<16xf32>,
      %swap3A_759 = vector.shape_cast %swap3A_758 : vector<16xf32> to vector<16xf32>
      %swap3A_760 = vector.shape_cast %broadcast_in_dim3A_7 : vector<16xf32> to vector<16xf32>
      tpu.vector_store %arg7[%swap3A_757], %swap3A_760 {strides = array<i32>} : memref<2000xf32, #tpu.memory_space<vmem>>, vector<16xf32>,
      %slice3A_761 = vector.extract_strided_slice %get3A_748 {offsets = [1], sizes = [1], strides = [1]} : vector<16xi32> to vector<1xi32>
      %squeeze3A_762 = vector.extract %slice3A_761[0] : i32 from vector<1xi32>
      %add3A_763 = arith.constant 1000 : i32
      %add3A_764 = arith.addi %add3A_763, %squeeze3A_762 : i32
      %shift_right_arithmetic3A_765 = arith.constant 4 : i32
      %shift_right_arithmetic3A_766 = arith.shrsi %add3A_764, %shift_right_arithmetic3A_765 : i32
      %shift_left3A_767 = arith.constant 4 : i32
      %shift_left3A_768 = arith.shli %shift_right_arithmetic3A_766, %shift_left3A_767 : i32
      %swap3A_769 = arith.index_cast %shift_left3A_768 : i32 to index
      %swap3A_770 = tpu.vector_load %arg7[%swap3A_769] {strides = array<i32>} : memref<2000xf32, #tpu.memory_space<vmem>>, vector<16xf32>,
      %swap3A_771 = vector.shape_cast %swap3A_770 : vector<16xf32> to vector<16xf32>
      %swap3A_772 = vector.shape_cast %broadcast_in_dim3A_7 : vector<16xf32> to vector<16xf32>
      tpu.vector_store %arg7[%swap3A_769], %swap3A_772 {strides = array<i32>} : memref<2000xf32, #tpu.memory_space<vmem>>, vector<16xf32>,
      %mul3A_773 = arith.constant 2 : i32
      %mul3A_774 = arith.muli %add3A_732, %mul3A_773 : i32
      %add3A_775 = arith.constant 0 : i32
      %add3A_776 = arith.addi %mul3A_774, %add3A_775 : i32
      %get3A_777 = arith.index_cast %add3A_776 : i32 to index
      %get3A_778 = tpu.vector_load %arg12[%get3A_777] {strides = array<i32>} : memref<2576xi32, #tpu.memory_space<vmem>>, vector<16xi32>,
      %get3A_779 = vector.shape_cast %get3A_778 : vector<16xi32> to vector<16xi32>
      %slice3A_780 = vector.extract_strided_slice %get3A_779 {offsets = [0], sizes = [1], strides = [1]} : vector<16xi32> to vector<1xi32>
      %squeeze3A_781 = vector.extract %slice3A_780[0] : i32 from vector<1xi32>
      %add3A_782 = arith.constant 0 : i32
      %add3A_783 = arith.addi %add3A_782, %squeeze3A_781 : i32
      %shift_right_arithmetic3A_784 = arith.constant 4 : i32
      %shift_right_arithmetic3A_785 = arith.shrsi %add3A_783, %shift_right_arithmetic3A_784 : i32
      %shift_left3A_786 = arith.constant 4 : i32
      %shift_left3A_787 = arith.shli %shift_right_arithmetic3A_785, %shift_left3A_786 : i32
      %sub3A_788 = arith.subi %add3A_783, %shift_left3A_787 : i32
      %get3A_789 = arith.index_cast %shift_left3A_787 : i32 to index
      %get3A_790 = tpu.vector_load %arg7[%get3A_789] {strides = array<i32>} : memref<2000xf32, #tpu.memory_space<vmem>>, vector<16xf32>,
      %get3A_791 = vector.shape_cast %get3A_790 : vector<16xf32> to vector<16xf32>
      %eq3A_792 = vector.broadcast %sub3A_788 : i32 to vector<16xi32>
      %eq3A_793 = arith.cmpi eq, %iota3A, %eq3A_792 : vector<16xi32>
      %jit3A_794 = arith.constant 1.000000e+00 : f32
      %broadcast_in_dim3A_795 = vector.broadcast %jit3A_794 : f32 to vector<16xf32>
      %select_n3A_796 = arith.select %eq3A_793, %broadcast_in_dim3A_795, %get3A_791 : vector<16xi1>, vector<16xf32>
      %swap3A_797 = arith.index_cast %shift_left3A_787 : i32 to index
      %swap3A_798 = tpu.vector_load %arg7[%swap3A_797] {strides = array<i32>} : memref<2000xf32, #tpu.memory_space<vmem>>, vector<16xf32>,
      %swap3A_799 = vector.shape_cast %swap3A_798 : vector<16xf32> to vector<16xf32>
      %swap3A_800 = vector.shape_cast %select_n3A_796 : vector<16xf32> to vector<16xf32>
      tpu.vector_store %arg7[%swap3A_797], %swap3A_800 {strides = array<i32>} : memref<2000xf32, #tpu.memory_space<vmem>>, vector<16xf32>,
      %slice3A_801 = vector.extract_strided_slice %get3A_779 {offsets = [1], sizes = [1], strides = [1]} : vector<16xi32> to vector<1xi32>
      %squeeze3A_802 = vector.extract %slice3A_801[0] : i32 from vector<1xi32>
      %add3A_803 = arith.constant 1000 : i32
      %add3A_804 = arith.addi %add3A_803, %squeeze3A_802 : i32
      %shift_right_arithmetic3A_805 = arith.constant 4 : i32
      %shift_right_arithmetic3A_806 = arith.shrsi %add3A_804, %shift_right_arithmetic3A_805 : i32
      %shift_left3A_807 = arith.constant 4 : i32
      %shift_left3A_808 = arith.shli %shift_right_arithmetic3A_806, %shift_left3A_807 : i32
      %sub3A_809 = arith.subi %add3A_804, %shift_left3A_808 : i32
      %get3A_810 = arith.index_cast %shift_left3A_808 : i32 to index
      %get3A_811 = tpu.vector_load %arg7[%get3A_810] {strides = array<i32>} : memref<2000xf32, #tpu.memory_space<vmem>>, vector<16xf32>,
      %get3A_812 = vector.shape_cast %get3A_811 : vector<16xf32> to vector<16xf32>
      %eq3A_813 = vector.broadcast %sub3A_809 : i32 to vector<16xi32>
      %eq3A_814 = arith.cmpi eq, %iota3A, %eq3A_813 : vector<16xi32>
      %jit3A_815 = arith.constant 1.000000e+00 : f32
      %broadcast_in_dim3A_816 = vector.broadcast %jit3A_815 : f32 to vector<16xf32>
      %select_n3A_817 = arith.select %eq3A_814, %broadcast_in_dim3A_816, %get3A_812 : vector<16xi1>, vector<16xf32>
      %swap3A_818 = arith.index_cast %shift_left3A_808 : i32 to index
      %swap3A_819 = tpu.vector_load %arg7[%swap3A_818] {strides = array<i32>} : memref<2000xf32, #tpu.memory_space<vmem>>, vector<16xf32>,
      %swap3A_820 = vector.shape_cast %swap3A_819 : vector<16xf32> to vector<16xf32>
      %swap3A_821 = vector.shape_cast %select_n3A_817 : vector<16xf32> to vector<16xf32>
      tpu.vector_store %arg7[%swap3A_818], %swap3A_821 {strides = array<i32>} : memref<2000xf32, #tpu.memory_space<vmem>>, vector<16xf32>,
      %mul3A_822 = arith.constant 2000 : i32
      %mul3A_823 = arith.muli %add3A_732, %mul3A_822 : i32
      %add3A_824 = arith.addi %mul3A_4, %mul3A_823 : i32
      %dma_start3A_825 = tpu.memref_slice %arg3[%add3A_824] : memref<81920000xf32, #tpu.memory_space<hbm>> -> memref<2000xf32, #tpu.memory_space<hbm>>
      %dma_start3A_826 = tpu.memref_slice %arg3[%add3A_824] : memref<81920000xf32, #tpu.memory_space<hbm>> -> memref<2000xf32, #tpu.memory_space<hbm>>
      tpu.enqueue_dma source(%arg7 : memref<2000xf32, #tpu.memory_space<vmem>>) target(%dma_start3A_826 : memref<2000xf32, #tpu.memory_space<hbm>>) target_semaphore(%arg16 : memref<!tpu.dma_semaphore, #tpu.memory_space<semaphore_mem>>)
      %mul3A_827 = arith.constant 8 : i32
      %mul3A_828 = arith.muli %mul3A_827, %scan3A_433 : i32
      %add3A_829 = arith.constant 4 : i32
      %add3A_830 = arith.addi %mul3A_828, %add3A_829 : i32
      %sub3A_831 = arith.constant 8 : i32
      %sub3A_832 = arith.subi %add3A_830, %sub3A_831 : i32
      %mul3A_833 = arith.constant 2000 : i32
      %mul3A_834 = arith.muli %sub3A_832, %mul3A_833 : i32
      %add3A_835 = arith.addi %mul3A_4, %mul3A_834 : i32
      %dma_wait3A_836 = tpu.memref_slice %arg3[%add3A_835] : memref<81920000xf32, #tpu.memory_space<hbm>> -> memref<2000xf32, #tpu.memory_space<hbm>>
      %dma_wait3A_837 = tpu.memref_slice %arg3[%add3A_835] : memref<81920000xf32, #tpu.memory_space<hbm>> -> memref<2000xf32, #tpu.memory_space<hbm>>
      tpu.wait_dma2 semaphore(%arg17 : memref<!tpu.dma_semaphore, #tpu.memory_space<semaphore_mem>>) src(%arg8 : memref<2000xf32, #tpu.memory_space<vmem>>) dst(%dma_wait3A_837 : memref<2000xf32, #tpu.memory_space<hbm>>)
      %sub3A_838 = arith.constant 8 : i32
      %sub3A_839 = arith.subi %add3A_830, %sub3A_838 : i32
      %mul3A_840 = arith.constant 2 : i32
      %mul3A_841 = arith.muli %sub3A_839, %mul3A_840 : i32
      %add3A_842 = arith.constant 0 : i32
      %add3A_843 = arith.addi %mul3A_841, %add3A_842 : i32
      %get3A_844 = arith.index_cast %add3A_843 : i32 to index
      %get3A_845 = tpu.vector_load %arg12[%get3A_844] {strides = array<i32>} : memref<2576xi32, #tpu.memory_space<vmem>>, vector<16xi32>,
      %get3A_846 = vector.shape_cast %get3A_845 : vector<16xi32> to vector<16xi32>
      %slice3A_847 = vector.extract_strided_slice %get3A_846 {offsets = [0], sizes = [1], strides = [1]} : vector<16xi32> to vector<1xi32>
      %squeeze3A_848 = vector.extract %slice3A_847[0] : i32 from vector<1xi32>
      %add3A_849 = arith.constant 0 : i32
      %add3A_850 = arith.addi %add3A_849, %squeeze3A_848 : i32
      %shift_right_arithmetic3A_851 = arith.constant 4 : i32
      %shift_right_arithmetic3A_852 = arith.shrsi %add3A_850, %shift_right_arithmetic3A_851 : i32
      %shift_left3A_853 = arith.constant 4 : i32
      %shift_left3A_854 = arith.shli %shift_right_arithmetic3A_852, %shift_left3A_853 : i32
      %swap3A_855 = arith.index_cast %shift_left3A_854 : i32 to index
      %swap3A_856 = tpu.vector_load %arg8[%swap3A_855] {strides = array<i32>} : memref<2000xf32, #tpu.memory_space<vmem>>, vector<16xf32>,
      %swap3A_857 = vector.shape_cast %swap3A_856 : vector<16xf32> to vector<16xf32>
      %swap3A_858 = vector.shape_cast %broadcast_in_dim3A_7 : vector<16xf32> to vector<16xf32>
      tpu.vector_store %arg8[%swap3A_855], %swap3A_858 {strides = array<i32>} : memref<2000xf32, #tpu.memory_space<vmem>>, vector<16xf32>,
      %slice3A_859 = vector.extract_strided_slice %get3A_846 {offsets = [1], sizes = [1], strides = [1]} : vector<16xi32> to vector<1xi32>
      %squeeze3A_860 = vector.extract %slice3A_859[0] : i32 from vector<1xi32>
      %add3A_861 = arith.constant 1000 : i32
      %add3A_862 = arith.addi %add3A_861, %squeeze3A_860 : i32
      %shift_right_arithmetic3A_863 = arith.constant 4 : i32
      %shift_right_arithmetic3A_864 = arith.shrsi %add3A_862, %shift_right_arithmetic3A_863 : i32
      %shift_left3A_865 = arith.constant 4 : i32
      %shift_left3A_866 = arith.shli %shift_right_arithmetic3A_864, %shift_left3A_865 : i32
      %swap3A_867 = arith.index_cast %shift_left3A_866 : i32 to index
      %swap3A_868 = tpu.vector_load %arg8[%swap3A_867] {strides = array<i32>} : memref<2000xf32, #tpu.memory_space<vmem>>, vector<16xf32>,
      %swap3A_869 = vector.shape_cast %swap3A_868 : vector<16xf32> to vector<16xf32>
      %swap3A_870 = vector.shape_cast %broadcast_in_dim3A_7 : vector<16xf32> to vector<16xf32>
      tpu.vector_store %arg8[%swap3A_867], %swap3A_870 {strides = array<i32>} : memref<2000xf32, #tpu.memory_space<vmem>>, vector<16xf32>,
      %mul3A_871 = arith.constant 2 : i32
      %mul3A_872 = arith.muli %add3A_830, %mul3A_871 : i32
      %add3A_873 = arith.constant 0 : i32
      %add3A_874 = arith.addi %mul3A_872, %add3A_873 : i32
      %get3A_875 = arith.index_cast %add3A_874 : i32 to index
      %get3A_876 = tpu.vector_load %arg12[%get3A_875] {strides = array<i32>} : memref<2576xi32, #tpu.memory_space<vmem>>, vector<16xi32>,
      %get3A_877 = vector.shape_cast %get3A_876 : vector<16xi32> to vector<16xi32>
      %slice3A_878 = vector.extract_strided_slice %get3A_877 {offsets = [0], sizes = [1], strides = [1]} : vector<16xi32> to vector<1xi32>
      %squeeze3A_879 = vector.extract %slice3A_878[0] : i32 from vector<1xi32>
      %add3A_880 = arith.constant 0 : i32
      %add3A_881 = arith.addi %add3A_880, %squeeze3A_879 : i32
      %shift_right_arithmetic3A_882 = arith.constant 4 : i32
      %shift_right_arithmetic3A_883 = arith.shrsi %add3A_881, %shift_right_arithmetic3A_882 : i32
      %shift_left3A_884 = arith.constant 4 : i32
      %shift_left3A_885 = arith.shli %shift_right_arithmetic3A_883, %shift_left3A_884 : i32
      %sub3A_886 = arith.subi %add3A_881, %shift_left3A_885 : i32
      %get3A_887 = arith.index_cast %shift_left3A_885 : i32 to index
      %get3A_888 = tpu.vector_load %arg8[%get3A_887] {strides = array<i32>} : memref<2000xf32, #tpu.memory_space<vmem>>, vector<16xf32>,
      %get3A_889 = vector.shape_cast %get3A_888 : vector<16xf32> to vector<16xf32>
      %eq3A_890 = vector.broadcast %sub3A_886 : i32 to vector<16xi32>
      %eq3A_891 = arith.cmpi eq, %iota3A, %eq3A_890 : vector<16xi32>
      %jit3A_892 = arith.constant 1.000000e+00 : f32
      %broadcast_in_dim3A_893 = vector.broadcast %jit3A_892 : f32 to vector<16xf32>
      %select_n3A_894 = arith.select %eq3A_891, %broadcast_in_dim3A_893, %get3A_889 : vector<16xi1>, vector<16xf32>
      %swap3A_895 = arith.index_cast %shift_left3A_885 : i32 to index
      %swap3A_896 = tpu.vector_load %arg8[%swap3A_895] {strides = array<i32>} : memref<2000xf32, #tpu.memory_space<vmem>>, vector<16xf32>,
      %swap3A_897 = vector.shape_cast %swap3A_896 : vector<16xf32> to vector<16xf32>
      %swap3A_898 = vector.shape_cast %select_n3A_894 : vector<16xf32> to vector<16xf32>
      tpu.vector_store %arg8[%swap3A_895], %swap3A_898 {strides = array<i32>} : memref<2000xf32, #tpu.memory_space<vmem>>, vector<16xf32>,
      %slice3A_899 = vector.extract_strided_slice %get3A_877 {offsets = [1], sizes = [1], strides = [1]} : vector<16xi32> to vector<1xi32>
      %squeeze3A_900 = vector.extract %slice3A_899[0] : i32 from vector<1xi32>
      %add3A_901 = arith.constant 1000 : i32
      %add3A_902 = arith.addi %add3A_901, %squeeze3A_900 : i32
      %shift_right_arithmetic3A_903 = arith.constant 4 : i32
      %shift_right_arithmetic3A_904 = arith.shrsi %add3A_902, %shift_right_arithmetic3A_903 : i32
      %shift_left3A_905 = arith.constant 4 : i32
      %shift_left3A_906 = arith.shli %shift_right_arithmetic3A_904, %shift_left3A_905 : i32
      %sub3A_907 = arith.subi %add3A_902, %shift_left3A_906 : i32
      %get3A_908 = arith.index_cast %shift_left3A_906 : i32 to index
      %get3A_909 = tpu.vector_load %arg8[%get3A_908] {strides = array<i32>} : memref<2000xf32, #tpu.memory_space<vmem>>, vector<16xf32>,
      %get3A_910 = vector.shape_cast %get3A_909 : vector<16xf32> to vector<16xf32>
      %eq3A_911 = vector.broadcast %sub3A_907 : i32 to vector<16xi32>
      %eq3A_912 = arith.cmpi eq, %iota3A, %eq3A_911 : vector<16xi32>
      %jit3A_913 = arith.constant 1.000000e+00 : f32
      %broadcast_in_dim3A_914 = vector.broadcast %jit3A_913 : f32 to vector<16xf32>
      %select_n3A_915 = arith.select %eq3A_912, %broadcast_in_dim3A_914, %get3A_910 : vector<16xi1>, vector<16xf32>
      %swap3A_916 = arith.index_cast %shift_left3A_906 : i32 to index
      %swap3A_917 = tpu.vector_load %arg8[%swap3A_916] {strides = array<i32>} : memref<2000xf32, #tpu.memory_space<vmem>>, vector<16xf32>,
      %swap3A_918 = vector.shape_cast %swap3A_917 : vector<16xf32> to vector<16xf32>
      %swap3A_919 = vector.shape_cast %select_n3A_915 : vector<16xf32> to vector<16xf32>
      tpu.vector_store %arg8[%swap3A_916], %swap3A_919 {strides = array<i32>} : memref<2000xf32, #tpu.memory_space<vmem>>, vector<16xf32>,
      %mul3A_920 = arith.constant 2000 : i32
      %mul3A_921 = arith.muli %add3A_830, %mul3A_920 : i32
      %add3A_922 = arith.addi %mul3A_4, %mul3A_921 : i32
      %dma_start3A_923 = tpu.memref_slice %arg3[%add3A_922] : memref<81920000xf32, #tpu.memory_space<hbm>> -> memref<2000xf32, #tpu.memory_space<hbm>>
      %dma_start3A_924 = tpu.memref_slice %arg3[%add3A_922] : memref<81920000xf32, #tpu.memory_space<hbm>> -> memref<2000xf32, #tpu.memory_space<hbm>>
      tpu.enqueue_dma source(%arg8 : memref<2000xf32, #tpu.memory_space<vmem>>) target(%dma_start3A_924 : memref<2000xf32, #tpu.memory_space<hbm>>) target_semaphore(%arg17 : memref<!tpu.dma_semaphore, #tpu.memory_space<semaphore_mem>>)
      %mul3A_925 = arith.constant 8 : i32
      %mul3A_926 = arith.muli %mul3A_925, %scan3A_433 : i32
      %add3A_927 = arith.constant 5 : i32
      %add3A_928 = arith.addi %mul3A_926, %add3A_927 : i32
      %sub3A_929 = arith.constant 8 : i32
      %sub3A_930 = arith.subi %add3A_928, %sub3A_929 : i32
      %mul3A_931 = arith.constant 2000 : i32
      %mul3A_932 = arith.muli %sub3A_930, %mul3A_931 : i32
      %add3A_933 = arith.addi %mul3A_4, %mul3A_932 : i32
      %dma_wait3A_934 = tpu.memref_slice %arg3[%add3A_933] : memref<81920000xf32, #tpu.memory_space<hbm>> -> memref<2000xf32, #tpu.memory_space<hbm>>
      %dma_wait3A_935 = tpu.memref_slice %arg3[%add3A_933] : memref<81920000xf32, #tpu.memory_space<hbm>> -> memref<2000xf32, #tpu.memory_space<hbm>>
      tpu.wait_dma2 semaphore(%arg18 : memref<!tpu.dma_semaphore, #tpu.memory_space<semaphore_mem>>) src(%arg9 : memref<2000xf32, #tpu.memory_space<vmem>>) dst(%dma_wait3A_935 : memref<2000xf32, #tpu.memory_space<hbm>>)
      %sub3A_936 = arith.constant 8 : i32
      %sub3A_937 = arith.subi %add3A_928, %sub3A_936 : i32
      %mul3A_938 = arith.constant 2 : i32
      %mul3A_939 = arith.muli %sub3A_937, %mul3A_938 : i32
      %add3A_940 = arith.constant 0 : i32
      %add3A_941 = arith.addi %mul3A_939, %add3A_940 : i32
      %get3A_942 = arith.index_cast %add3A_941 : i32 to index
      %get3A_943 = tpu.vector_load %arg12[%get3A_942] {strides = array<i32>} : memref<2576xi32, #tpu.memory_space<vmem>>, vector<16xi32>,
      %get3A_944 = vector.shape_cast %get3A_943 : vector<16xi32> to vector<16xi32>
      %slice3A_945 = vector.extract_strided_slice %get3A_944 {offsets = [0], sizes = [1], strides = [1]} : vector<16xi32> to vector<1xi32>
      %squeeze3A_946 = vector.extract %slice3A_945[0] : i32 from vector<1xi32>
      %add3A_947 = arith.constant 0 : i32
      %add3A_948 = arith.addi %add3A_947, %squeeze3A_946 : i32
      %shift_right_arithmetic3A_949 = arith.constant 4 : i32
      %shift_right_arithmetic3A_950 = arith.shrsi %add3A_948, %shift_right_arithmetic3A_949 : i32
      %shift_left3A_951 = arith.constant 4 : i32
      %shift_left3A_952 = arith.shli %shift_right_arithmetic3A_950, %shift_left3A_951 : i32
      %swap3A_953 = arith.index_cast %shift_left3A_952 : i32 to index
      %swap3A_954 = tpu.vector_load %arg9[%swap3A_953] {strides = array<i32>} : memref<2000xf32, #tpu.memory_space<vmem>>, vector<16xf32>,
      %swap3A_955 = vector.shape_cast %swap3A_954 : vector<16xf32> to vector<16xf32>
      %swap3A_956 = vector.shape_cast %broadcast_in_dim3A_7 : vector<16xf32> to vector<16xf32>
      tpu.vector_store %arg9[%swap3A_953], %swap3A_956 {strides = array<i32>} : memref<2000xf32, #tpu.memory_space<vmem>>, vector<16xf32>,
      %slice3A_957 = vector.extract_strided_slice %get3A_944 {offsets = [1], sizes = [1], strides = [1]} : vector<16xi32> to vector<1xi32>
      %squeeze3A_958 = vector.extract %slice3A_957[0] : i32 from vector<1xi32>
      %add3A_959 = arith.constant 1000 : i32
      %add3A_960 = arith.addi %add3A_959, %squeeze3A_958 : i32
      %shift_right_arithmetic3A_961 = arith.constant 4 : i32
      %shift_right_arithmetic3A_962 = arith.shrsi %add3A_960, %shift_right_arithmetic3A_961 : i32
      %shift_left3A_963 = arith.constant 4 : i32
      %shift_left3A_964 = arith.shli %shift_right_arithmetic3A_962, %shift_left3A_963 : i32
      %swap3A_965 = arith.index_cast %shift_left3A_964 : i32 to index
      %swap3A_966 = tpu.vector_load %arg9[%swap3A_965] {strides = array<i32>} : memref<2000xf32, #tpu.memory_space<vmem>>, vector<16xf32>,
      %swap3A_967 = vector.shape_cast %swap3A_966 : vector<16xf32> to vector<16xf32>
      %swap3A_968 = vector.shape_cast %broadcast_in_dim3A_7 : vector<16xf32> to vector<16xf32>
      tpu.vector_store %arg9[%swap3A_965], %swap3A_968 {strides = array<i32>} : memref<2000xf32, #tpu.memory_space<vmem>>, vector<16xf32>,
      %mul3A_969 = arith.constant 2 : i32
      %mul3A_970 = arith.muli %add3A_928, %mul3A_969 : i32
      %add3A_971 = arith.constant 0 : i32
      %add3A_972 = arith.addi %mul3A_970, %add3A_971 : i32
      %get3A_973 = arith.index_cast %add3A_972 : i32 to index
      %get3A_974 = tpu.vector_load %arg12[%get3A_973] {strides = array<i32>} : memref<2576xi32, #tpu.memory_space<vmem>>, vector<16xi32>,
      %get3A_975 = vector.shape_cast %get3A_974 : vector<16xi32> to vector<16xi32>
      %slice3A_976 = vector.extract_strided_slice %get3A_975 {offsets = [0], sizes = [1], strides = [1]} : vector<16xi32> to vector<1xi32>
      %squeeze3A_977 = vector.extract %slice3A_976[0] : i32 from vector<1xi32>
      %add3A_978 = arith.constant 0 : i32
      %add3A_979 = arith.addi %add3A_978, %squeeze3A_977 : i32
      %shift_right_arithmetic3A_980 = arith.constant 4 : i32
      %shift_right_arithmetic3A_981 = arith.shrsi %add3A_979, %shift_right_arithmetic3A_980 : i32
      %shift_left3A_982 = arith.constant 4 : i32
      %shift_left3A_983 = arith.shli %shift_right_arithmetic3A_981, %shift_left3A_982 : i32
      %sub3A_984 = arith.subi %add3A_979, %shift_left3A_983 : i32
      %get3A_985 = arith.index_cast %shift_left3A_983 : i32 to index
      %get3A_986 = tpu.vector_load %arg9[%get3A_985] {strides = array<i32>} : memref<2000xf32, #tpu.memory_space<vmem>>, vector<16xf32>,
      %get3A_987 = vector.shape_cast %get3A_986 : vector<16xf32> to vector<16xf32>
      %eq3A_988 = vector.broadcast %sub3A_984 : i32 to vector<16xi32>
      %eq3A_989 = arith.cmpi eq, %iota3A, %eq3A_988 : vector<16xi32>
      %jit3A_990 = arith.constant 1.000000e+00 : f32
      %broadcast_in_dim3A_991 = vector.broadcast %jit3A_990 : f32 to vector<16xf32>
      %select_n3A_992 = arith.select %eq3A_989, %broadcast_in_dim3A_991, %get3A_987 : vector<16xi1>, vector<16xf32>
      %swap3A_993 = arith.index_cast %shift_left3A_983 : i32 to index
      %swap3A_994 = tpu.vector_load %arg9[%swap3A_993] {strides = array<i32>} : memref<2000xf32, #tpu.memory_space<vmem>>, vector<16xf32>,
      %swap3A_995 = vector.shape_cast %swap3A_994 : vector<16xf32> to vector<16xf32>
      %swap3A_996 = vector.shape_cast %select_n3A_992 : vector<16xf32> to vector<16xf32>
      tpu.vector_store %arg9[%swap3A_993], %swap3A_996 {strides = array<i32>} : memref<2000xf32, #tpu.memory_space<vmem>>, vector<16xf32>,
      %slice3A_997 = vector.extract_strided_slice %get3A_975 {offsets = [1], sizes = [1], strides = [1]} : vector<16xi32> to vector<1xi32>
      %squeeze3A_998 = vector.extract %slice3A_997[0] : i32 from vector<1xi32>
      %add3A_999 = arith.constant 1000 : i32
      %add3A_1000 = arith.addi %add3A_999, %squeeze3A_998 : i32
      %shift_right_arithmetic3A_1001 = arith.constant 4 : i32
      %shift_right_arithmetic3A_1002 = arith.shrsi %add3A_1000, %shift_right_arithmetic3A_1001 : i32
      %shift_left3A_1003 = arith.constant 4 : i32
      %shift_left3A_1004 = arith.shli %shift_right_arithmetic3A_1002, %shift_left3A_1003 : i32
      %sub3A_1005 = arith.subi %add3A_1000, %shift_left3A_1004 : i32
      %get3A_1006 = arith.index_cast %shift_left3A_1004 : i32 to index
      %get3A_1007 = tpu.vector_load %arg9[%get3A_1006] {strides = array<i32>} : memref<2000xf32, #tpu.memory_space<vmem>>, vector<16xf32>,
      %get3A_1008 = vector.shape_cast %get3A_1007 : vector<16xf32> to vector<16xf32>
      %eq3A_1009 = vector.broadcast %sub3A_1005 : i32 to vector<16xi32>
      %eq3A_1010 = arith.cmpi eq, %iota3A, %eq3A_1009 : vector<16xi32>
      %jit3A_1011 = arith.constant 1.000000e+00 : f32
      %broadcast_in_dim3A_1012 = vector.broadcast %jit3A_1011 : f32 to vector<16xf32>
      %select_n3A_1013 = arith.select %eq3A_1010, %broadcast_in_dim3A_1012, %get3A_1008 : vector<16xi1>, vector<16xf32>
      %swap3A_1014 = arith.index_cast %shift_left3A_1004 : i32 to index
      %swap3A_1015 = tpu.vector_load %arg9[%swap3A_1014] {strides = array<i32>} : memref<2000xf32, #tpu.memory_space<vmem>>, vector<16xf32>,
      %swap3A_1016 = vector.shape_cast %swap3A_1015 : vector<16xf32> to vector<16xf32>
      %swap3A_1017 = vector.shape_cast %select_n3A_1013 : vector<16xf32> to vector<16xf32>
      tpu.vector_store %arg9[%swap3A_1014], %swap3A_1017 {strides = array<i32>} : memref<2000xf32, #tpu.memory_space<vmem>>, vector<16xf32>,
      %mul3A_1018 = arith.constant 2000 : i32
      %mul3A_1019 = arith.muli %add3A_928, %mul3A_1018 : i32
      %add3A_1020 = arith.addi %mul3A_4, %mul3A_1019 : i32
      %dma_start3A_1021 = tpu.memref_slice %arg3[%add3A_1020] : memref<81920000xf32, #tpu.memory_space<hbm>> -> memref<2000xf32, #tpu.memory_space<hbm>>
      %dma_start3A_1022 = tpu.memref_slice %arg3[%add3A_1020] : memref<81920000xf32, #tpu.memory_space<hbm>> -> memref<2000xf32, #tpu.memory_space<hbm>>
      tpu.enqueue_dma source(%arg9 : memref<2000xf32, #tpu.memory_space<vmem>>) target(%dma_start3A_1022 : memref<2000xf32, #tpu.memory_space<hbm>>) target_semaphore(%arg18 : memref<!tpu.dma_semaphore, #tpu.memory_space<semaphore_mem>>)
      %mul3A_1023 = arith.constant 8 : i32
      %mul3A_1024 = arith.muli %mul3A_1023, %scan3A_433 : i32
      %add3A_1025 = arith.constant 6 : i32
      %add3A_1026 = arith.addi %mul3A_1024, %add3A_1025 : i32
      %sub3A_1027 = arith.constant 8 : i32
      %sub3A_1028 = arith.subi %add3A_1026, %sub3A_1027 : i32
      %mul3A_1029 = arith.constant 2000 : i32
      %mul3A_1030 = arith.muli %sub3A_1028, %mul3A_1029 : i32
      %add3A_1031 = arith.addi %mul3A_4, %mul3A_1030 : i32
      %dma_wait3A_1032 = tpu.memref_slice %arg3[%add3A_1031] : memref<81920000xf32, #tpu.memory_space<hbm>> -> memref<2000xf32, #tpu.memory_space<hbm>>
      %dma_wait3A_1033 = tpu.memref_slice %arg3[%add3A_1031] : memref<81920000xf32, #tpu.memory_space<hbm>> -> memref<2000xf32, #tpu.memory_space<hbm>>
      tpu.wait_dma2 semaphore(%arg19 : memref<!tpu.dma_semaphore, #tpu.memory_space<semaphore_mem>>) src(%arg10 : memref<2000xf32, #tpu.memory_space<vmem>>) dst(%dma_wait3A_1033 : memref<2000xf32, #tpu.memory_space<hbm>>)
      %sub3A_1034 = arith.constant 8 : i32
      %sub3A_1035 = arith.subi %add3A_1026, %sub3A_1034 : i32
      %mul3A_1036 = arith.constant 2 : i32
      %mul3A_1037 = arith.muli %sub3A_1035, %mul3A_1036 : i32
      %add3A_1038 = arith.constant 0 : i32
      %add3A_1039 = arith.addi %mul3A_1037, %add3A_1038 : i32
      %get3A_1040 = arith.index_cast %add3A_1039 : i32 to index
      %get3A_1041 = tpu.vector_load %arg12[%get3A_1040] {strides = array<i32>} : memref<2576xi32, #tpu.memory_space<vmem>>, vector<16xi32>,
      %get3A_1042 = vector.shape_cast %get3A_1041 : vector<16xi32> to vector<16xi32>
      %slice3A_1043 = vector.extract_strided_slice %get3A_1042 {offsets = [0], sizes = [1], strides = [1]} : vector<16xi32> to vector<1xi32>
      %squeeze3A_1044 = vector.extract %slice3A_1043[0] : i32 from vector<1xi32>
      %add3A_1045 = arith.constant 0 : i32
      %add3A_1046 = arith.addi %add3A_1045, %squeeze3A_1044 : i32
      %shift_right_arithmetic3A_1047 = arith.constant 4 : i32
      %shift_right_arithmetic3A_1048 = arith.shrsi %add3A_1046, %shift_right_arithmetic3A_1047 : i32
      %shift_left3A_1049 = arith.constant 4 : i32
      %shift_left3A_1050 = arith.shli %shift_right_arithmetic3A_1048, %shift_left3A_1049 : i32
      %swap3A_1051 = arith.index_cast %shift_left3A_1050 : i32 to index
      %swap3A_1052 = tpu.vector_load %arg10[%swap3A_1051] {strides = array<i32>} : memref<2000xf32, #tpu.memory_space<vmem>>, vector<16xf32>,
      %swap3A_1053 = vector.shape_cast %swap3A_1052 : vector<16xf32> to vector<16xf32>
      %swap3A_1054 = vector.shape_cast %broadcast_in_dim3A_7 : vector<16xf32> to vector<16xf32>
      tpu.vector_store %arg10[%swap3A_1051], %swap3A_1054 {strides = array<i32>} : memref<2000xf32, #tpu.memory_space<vmem>>, vector<16xf32>,
      %slice3A_1055 = vector.extract_strided_slice %get3A_1042 {offsets = [1], sizes = [1], strides = [1]} : vector<16xi32> to vector<1xi32>
      %squeeze3A_1056 = vector.extract %slice3A_1055[0] : i32 from vector<1xi32>
      %add3A_1057 = arith.constant 1000 : i32
      %add3A_1058 = arith.addi %add3A_1057, %squeeze3A_1056 : i32
      %shift_right_arithmetic3A_1059 = arith.constant 4 : i32
      %shift_right_arithmetic3A_1060 = arith.shrsi %add3A_1058, %shift_right_arithmetic3A_1059 : i32
      %shift_left3A_1061 = arith.constant 4 : i32
      %shift_left3A_1062 = arith.shli %shift_right_arithmetic3A_1060, %shift_left3A_1061 : i32
      %swap3A_1063 = arith.index_cast %shift_left3A_1062 : i32 to index
      %swap3A_1064 = tpu.vector_load %arg10[%swap3A_1063] {strides = array<i32>} : memref<2000xf32, #tpu.memory_space<vmem>>, vector<16xf32>,
      %swap3A_1065 = vector.shape_cast %swap3A_1064 : vector<16xf32> to vector<16xf32>
      %swap3A_1066 = vector.shape_cast %broadcast_in_dim3A_7 : vector<16xf32> to vector<16xf32>
      tpu.vector_store %arg10[%swap3A_1063], %swap3A_1066 {strides = array<i32>} : memref<2000xf32, #tpu.memory_space<vmem>>, vector<16xf32>,
      %mul3A_1067 = arith.constant 2 : i32
      %mul3A_1068 = arith.muli %add3A_1026, %mul3A_1067 : i32
      %add3A_1069 = arith.constant 0 : i32
      %add3A_1070 = arith.addi %mul3A_1068, %add3A_1069 : i32
      %get3A_1071 = arith.index_cast %add3A_1070 : i32 to index
      %get3A_1072 = tpu.vector_load %arg12[%get3A_1071] {strides = array<i32>} : memref<2576xi32, #tpu.memory_space<vmem>>, vector<16xi32>,
      %get3A_1073 = vector.shape_cast %get3A_1072 : vector<16xi32> to vector<16xi32>
      %slice3A_1074 = vector.extract_strided_slice %get3A_1073 {offsets = [0], sizes = [1], strides = [1]} : vector<16xi32> to vector<1xi32>
      %squeeze3A_1075 = vector.extract %slice3A_1074[0] : i32 from vector<1xi32>
      %add3A_1076 = arith.constant 0 : i32
      %add3A_1077 = arith.addi %add3A_1076, %squeeze3A_1075 : i32
      %shift_right_arithmetic3A_1078 = arith.constant 4 : i32
      %shift_right_arithmetic3A_1079 = arith.shrsi %add3A_1077, %shift_right_arithmetic3A_1078 : i32
      %shift_left3A_1080 = arith.constant 4 : i32
      %shift_left3A_1081 = arith.shli %shift_right_arithmetic3A_1079, %shift_left3A_1080 : i32
      %sub3A_1082 = arith.subi %add3A_1077, %shift_left3A_1081 : i32
      %get3A_1083 = arith.index_cast %shift_left3A_1081 : i32 to index
      %get3A_1084 = tpu.vector_load %arg10[%get3A_1083] {strides = array<i32>} : memref<2000xf32, #tpu.memory_space<vmem>>, vector<16xf32>,
      %get3A_1085 = vector.shape_cast %get3A_1084 : vector<16xf32> to vector<16xf32>
      %eq3A_1086 = vector.broadcast %sub3A_1082 : i32 to vector<16xi32>
      %eq3A_1087 = arith.cmpi eq, %iota3A, %eq3A_1086 : vector<16xi32>
      %jit3A_1088 = arith.constant 1.000000e+00 : f32
      %broadcast_in_dim3A_1089 = vector.broadcast %jit3A_1088 : f32 to vector<16xf32>
      %select_n3A_1090 = arith.select %eq3A_1087, %broadcast_in_dim3A_1089, %get3A_1085 : vector<16xi1>, vector<16xf32>
      %swap3A_1091 = arith.index_cast %shift_left3A_1081 : i32 to index
      %swap3A_1092 = tpu.vector_load %arg10[%swap3A_1091] {strides = array<i32>} : memref<2000xf32, #tpu.memory_space<vmem>>, vector<16xf32>,
      %swap3A_1093 = vector.shape_cast %swap3A_1092 : vector<16xf32> to vector<16xf32>
      %swap3A_1094 = vector.shape_cast %select_n3A_1090 : vector<16xf32> to vector<16xf32>
      tpu.vector_store %arg10[%swap3A_1091], %swap3A_1094 {strides = array<i32>} : memref<2000xf32, #tpu.memory_space<vmem>>, vector<16xf32>,
      %slice3A_1095 = vector.extract_strided_slice %get3A_1073 {offsets = [1], sizes = [1], strides = [1]} : vector<16xi32> to vector<1xi32>
      %squeeze3A_1096 = vector.extract %slice3A_1095[0] : i32 from vector<1xi32>
      %add3A_1097 = arith.constant 1000 : i32
      %add3A_1098 = arith.addi %add3A_1097, %squeeze3A_1096 : i32
      %shift_right_arithmetic3A_1099 = arith.constant 4 : i32
      %shift_right_arithmetic3A_1100 = arith.shrsi %add3A_1098, %shift_right_arithmetic3A_1099 : i32
      %shift_left3A_1101 = arith.constant 4 : i32
      %shift_left3A_1102 = arith.shli %shift_right_arithmetic3A_1100, %shift_left3A_1101 : i32
      %sub3A_1103 = arith.subi %add3A_1098, %shift_left3A_1102 : i32
      %get3A_1104 = arith.index_cast %shift_left3A_1102 : i32 to index
      %get3A_1105 = tpu.vector_load %arg10[%get3A_1104] {strides = array<i32>} : memref<2000xf32, #tpu.memory_space<vmem>>, vector<16xf32>,
      %get3A_1106 = vector.shape_cast %get3A_1105 : vector<16xf32> to vector<16xf32>
      %eq3A_1107 = vector.broadcast %sub3A_1103 : i32 to vector<16xi32>
      %eq3A_1108 = arith.cmpi eq, %iota3A, %eq3A_1107 : vector<16xi32>
      %jit3A_1109 = arith.constant 1.000000e+00 : f32
      %broadcast_in_dim3A_1110 = vector.broadcast %jit3A_1109 : f32 to vector<16xf32>
      %select_n3A_1111 = arith.select %eq3A_1108, %broadcast_in_dim3A_1110, %get3A_1106 : vector<16xi1>, vector<16xf32>
      %swap3A_1112 = arith.index_cast %shift_left3A_1102 : i32 to index
      %swap3A_1113 = tpu.vector_load %arg10[%swap3A_1112] {strides = array<i32>} : memref<2000xf32, #tpu.memory_space<vmem>>, vector<16xf32>,
      %swap3A_1114 = vector.shape_cast %swap3A_1113 : vector<16xf32> to vector<16xf32>
      %swap3A_1115 = vector.shape_cast %select_n3A_1111 : vector<16xf32> to vector<16xf32>
      tpu.vector_store %arg10[%swap3A_1112], %swap3A_1115 {strides = array<i32>} : memref<2000xf32, #tpu.memory_space<vmem>>, vector<16xf32>,
      %mul3A_1116 = arith.constant 2000 : i32
      %mul3A_1117 = arith.muli %add3A_1026, %mul3A_1116 : i32
      %add3A_1118 = arith.addi %mul3A_4, %mul3A_1117 : i32
      %dma_start3A_1119 = tpu.memref_slice %arg3[%add3A_1118] : memref<81920000xf32, #tpu.memory_space<hbm>> -> memref<2000xf32, #tpu.memory_space<hbm>>
      %dma_start3A_1120 = tpu.memref_slice %arg3[%add3A_1118] : memref<81920000xf32, #tpu.memory_space<hbm>> -> memref<2000xf32, #tpu.memory_space<hbm>>
      tpu.enqueue_dma source(%arg10 : memref<2000xf32, #tpu.memory_space<vmem>>) target(%dma_start3A_1120 : memref<2000xf32, #tpu.memory_space<hbm>>) target_semaphore(%arg19 : memref<!tpu.dma_semaphore, #tpu.memory_space<semaphore_mem>>)
      %mul3A_1121 = arith.constant 8 : i32
      %mul3A_1122 = arith.muli %mul3A_1121, %scan3A_433 : i32
      %add3A_1123 = arith.constant 7 : i32
      %add3A_1124 = arith.addi %mul3A_1122, %add3A_1123 : i32
      %sub3A_1125 = arith.constant 8 : i32
      %sub3A_1126 = arith.subi %add3A_1124, %sub3A_1125 : i32
      %mul3A_1127 = arith.constant 2000 : i32
      %mul3A_1128 = arith.muli %sub3A_1126, %mul3A_1127 : i32
      %add3A_1129 = arith.addi %mul3A_4, %mul3A_1128 : i32
      %dma_wait3A_1130 = tpu.memref_slice %arg3[%add3A_1129] : memref<81920000xf32, #tpu.memory_space<hbm>> -> memref<2000xf32, #tpu.memory_space<hbm>>
      %dma_wait3A_1131 = tpu.memref_slice %arg3[%add3A_1129] : memref<81920000xf32, #tpu.memory_space<hbm>> -> memref<2000xf32, #tpu.memory_space<hbm>>
      tpu.wait_dma2 semaphore(%arg20 : memref<!tpu.dma_semaphore, #tpu.memory_space<semaphore_mem>>) src(%arg11 : memref<2000xf32, #tpu.memory_space<vmem>>) dst(%dma_wait3A_1131 : memref<2000xf32, #tpu.memory_space<hbm>>)
      %sub3A_1132 = arith.constant 8 : i32
      %sub3A_1133 = arith.subi %add3A_1124, %sub3A_1132 : i32
      %mul3A_1134 = arith.constant 2 : i32
      %mul3A_1135 = arith.muli %sub3A_1133, %mul3A_1134 : i32
      %add3A_1136 = arith.constant 0 : i32
      %add3A_1137 = arith.addi %mul3A_1135, %add3A_1136 : i32
      %get3A_1138 = arith.index_cast %add3A_1137 : i32 to index
      %get3A_1139 = tpu.vector_load %arg12[%get3A_1138] {strides = array<i32>} : memref<2576xi32, #tpu.memory_space<vmem>>, vector<16xi32>,
      %get3A_1140 = vector.shape_cast %get3A_1139 : vector<16xi32> to vector<16xi32>
      %slice3A_1141 = vector.extract_strided_slice %get3A_1140 {offsets = [0], sizes = [1], strides = [1]} : vector<16xi32> to vector<1xi32>
      %squeeze3A_1142 = vector.extract %slice3A_1141[0] : i32 from vector<1xi32>
      %add3A_1143 = arith.constant 0 : i32
      %add3A_1144 = arith.addi %add3A_1143, %squeeze3A_1142 : i32
      %shift_right_arithmetic3A_1145 = arith.constant 4 : i32
      %shift_right_arithmetic3A_1146 = arith.shrsi %add3A_1144, %shift_right_arithmetic3A_1145 : i32
      %shift_left3A_1147 = arith.constant 4 : i32
      %shift_left3A_1148 = arith.shli %shift_right_arithmetic3A_1146, %shift_left3A_1147 : i32
      %swap3A_1149 = arith.index_cast %shift_left3A_1148 : i32 to index
      %swap3A_1150 = tpu.vector_load %arg11[%swap3A_1149] {strides = array<i32>} : memref<2000xf32, #tpu.memory_space<vmem>>, vector<16xf32>,
      %swap3A_1151 = vector.shape_cast %swap3A_1150 : vector<16xf32> to vector<16xf32>
      %swap3A_1152 = vector.shape_cast %broadcast_in_dim3A_7 : vector<16xf32> to vector<16xf32>
      tpu.vector_store %arg11[%swap3A_1149], %swap3A_1152 {strides = array<i32>} : memref<2000xf32, #tpu.memory_space<vmem>>, vector<16xf32>,
      %slice3A_1153 = vector.extract_strided_slice %get3A_1140 {offsets = [1], sizes = [1], strides = [1]} : vector<16xi32> to vector<1xi32>
      %squeeze3A_1154 = vector.extract %slice3A_1153[0] : i32 from vector<1xi32>
      %add3A_1155 = arith.constant 1000 : i32
      %add3A_1156 = arith.addi %add3A_1155, %squeeze3A_1154 : i32
      %shift_right_arithmetic3A_1157 = arith.constant 4 : i32
      %shift_right_arithmetic3A_1158 = arith.shrsi %add3A_1156, %shift_right_arithmetic3A_1157 : i32
      %shift_left3A_1159 = arith.constant 4 : i32
      %shift_left3A_1160 = arith.shli %shift_right_arithmetic3A_1158, %shift_left3A_1159 : i32
      %swap3A_1161 = arith.index_cast %shift_left3A_1160 : i32 to index
      %swap3A_1162 = tpu.vector_load %arg11[%swap3A_1161] {strides = array<i32>} : memref<2000xf32, #tpu.memory_space<vmem>>, vector<16xf32>,
      %swap3A_1163 = vector.shape_cast %swap3A_1162 : vector<16xf32> to vector<16xf32>
      %swap3A_1164 = vector.shape_cast %broadcast_in_dim3A_7 : vector<16xf32> to vector<16xf32>
      tpu.vector_store %arg11[%swap3A_1161], %swap3A_1164 {strides = array<i32>} : memref<2000xf32, #tpu.memory_space<vmem>>, vector<16xf32>,
      %mul3A_1165 = arith.constant 2 : i32
      %mul3A_1166 = arith.muli %add3A_1124, %mul3A_1165 : i32
      %add3A_1167 = arith.constant 0 : i32
      %add3A_1168 = arith.addi %mul3A_1166, %add3A_1167 : i32
      %get3A_1169 = arith.index_cast %add3A_1168 : i32 to index
      %get3A_1170 = tpu.vector_load %arg12[%get3A_1169] {strides = array<i32>} : memref<2576xi32, #tpu.memory_space<vmem>>, vector<16xi32>,
      %get3A_1171 = vector.shape_cast %get3A_1170 : vector<16xi32> to vector<16xi32>
      %slice3A_1172 = vector.extract_strided_slice %get3A_1171 {offsets = [0], sizes = [1], strides = [1]} : vector<16xi32> to vector<1xi32>
      %squeeze3A_1173 = vector.extract %slice3A_1172[0] : i32 from vector<1xi32>
      %add3A_1174 = arith.constant 0 : i32
      %add3A_1175 = arith.addi %add3A_1174, %squeeze3A_1173 : i32
      %shift_right_arithmetic3A_1176 = arith.constant 4 : i32
      %shift_right_arithmetic3A_1177 = arith.shrsi %add3A_1175, %shift_right_arithmetic3A_1176 : i32
      %shift_left3A_1178 = arith.constant 4 : i32
      %shift_left3A_1179 = arith.shli %shift_right_arithmetic3A_1177, %shift_left3A_1178 : i32
      %sub3A_1180 = arith.subi %add3A_1175, %shift_left3A_1179 : i32
      %get3A_1181 = arith.index_cast %shift_left3A_1179 : i32 to index
      %get3A_1182 = tpu.vector_load %arg11[%get3A_1181] {strides = array<i32>} : memref<2000xf32, #tpu.memory_space<vmem>>, vector<16xf32>,
      %get3A_1183 = vector.shape_cast %get3A_1182 : vector<16xf32> to vector<16xf32>
      %eq3A_1184 = vector.broadcast %sub3A_1180 : i32 to vector<16xi32>
      %eq3A_1185 = arith.cmpi eq, %iota3A, %eq3A_1184 : vector<16xi32>
      %jit3A_1186 = arith.constant 1.000000e+00 : f32
      %broadcast_in_dim3A_1187 = vector.broadcast %jit3A_1186 : f32 to vector<16xf32>
      %select_n3A_1188 = arith.select %eq3A_1185, %broadcast_in_dim3A_1187, %get3A_1183 : vector<16xi1>, vector<16xf32>
      %swap3A_1189 = arith.index_cast %shift_left3A_1179 : i32 to index
      %swap3A_1190 = tpu.vector_load %arg11[%swap3A_1189] {strides = array<i32>} : memref<2000xf32, #tpu.memory_space<vmem>>, vector<16xf32>,
      %swap3A_1191 = vector.shape_cast %swap3A_1190 : vector<16xf32> to vector<16xf32>
      %swap3A_1192 = vector.shape_cast %select_n3A_1188 : vector<16xf32> to vector<16xf32>
      tpu.vector_store %arg11[%swap3A_1189], %swap3A_1192 {strides = array<i32>} : memref<2000xf32, #tpu.memory_space<vmem>>, vector<16xf32>,
      %slice3A_1193 = vector.extract_strided_slice %get3A_1171 {offsets = [1], sizes = [1], strides = [1]} : vector<16xi32> to vector<1xi32>
      %squeeze3A_1194 = vector.extract %slice3A_1193[0] : i32 from vector<1xi32>
      %add3A_1195 = arith.constant 1000 : i32
      %add3A_1196 = arith.addi %add3A_1195, %squeeze3A_1194 : i32
      %shift_right_arithmetic3A_1197 = arith.constant 4 : i32
      %shift_right_arithmetic3A_1198 = arith.shrsi %add3A_1196, %shift_right_arithmetic3A_1197 : i32
      %shift_left3A_1199 = arith.constant 4 : i32
      %shift_left3A_1200 = arith.shli %shift_right_arithmetic3A_1198, %shift_left3A_1199 : i32
      %sub3A_1201 = arith.subi %add3A_1196, %shift_left3A_1200 : i32
      %get3A_1202 = arith.index_cast %shift_left3A_1200 : i32 to index
      %get3A_1203 = tpu.vector_load %arg11[%get3A_1202] {strides = array<i32>} : memref<2000xf32, #tpu.memory_space<vmem>>, vector<16xf32>,
      %get3A_1204 = vector.shape_cast %get3A_1203 : vector<16xf32> to vector<16xf32>
      %eq3A_1205 = vector.broadcast %sub3A_1201 : i32 to vector<16xi32>
      %eq3A_1206 = arith.cmpi eq, %iota3A, %eq3A_1205 : vector<16xi32>
      %jit3A_1207 = arith.constant 1.000000e+00 : f32
      %broadcast_in_dim3A_1208 = vector.broadcast %jit3A_1207 : f32 to vector<16xf32>
      %select_n3A_1209 = arith.select %eq3A_1206, %broadcast_in_dim3A_1208, %get3A_1204 : vector<16xi1>, vector<16xf32>
      %swap3A_1210 = arith.index_cast %shift_left3A_1200 : i32 to index
      %swap3A_1211 = tpu.vector_load %arg11[%swap3A_1210] {strides = array<i32>} : memref<2000xf32, #tpu.memory_space<vmem>>, vector<16xf32>,
      %swap3A_1212 = vector.shape_cast %swap3A_1211 : vector<16xf32> to vector<16xf32>
      %swap3A_1213 = vector.shape_cast %select_n3A_1209 : vector<16xf32> to vector<16xf32>
      tpu.vector_store %arg11[%swap3A_1210], %swap3A_1213 {strides = array<i32>} : memref<2000xf32, #tpu.memory_space<vmem>>, vector<16xf32>,
      %mul3A_1214 = arith.constant 2000 : i32
      %mul3A_1215 = arith.muli %add3A_1124, %mul3A_1214 : i32
      %add3A_1216 = arith.addi %mul3A_4, %mul3A_1215 : i32
      %dma_start3A_1217 = tpu.memref_slice %arg3[%add3A_1216] : memref<81920000xf32, #tpu.memory_space<hbm>> -> memref<2000xf32, #tpu.memory_space<hbm>>
      %dma_start3A_1218 = tpu.memref_slice %arg3[%add3A_1216] : memref<81920000xf32, #tpu.memory_space<hbm>> -> memref<2000xf32, #tpu.memory_space<hbm>>
      tpu.enqueue_dma source(%arg11 : memref<2000xf32, #tpu.memory_space<vmem>>) target(%dma_start3A_1218 : memref<2000xf32, #tpu.memory_space<hbm>>) target_semaphore(%arg20 : memref<!tpu.dma_semaphore, #tpu.memory_space<semaphore_mem>>)
      %scan3A_1219 = arith.constant 0 : i32
      scf.yield %scan3A_1219 : i32
    }
    %scan3A_401 = arith.constant 159 : i32
    %add3A_402 = arith.constant 2544000 : i32
    %add3A_403 = arith.addi %mul3A_4, %add3A_402 : i32
    %dma_wait3A = tpu.memref_slice %arg3[%add3A_403] : memref<81920000xf32, #tpu.memory_space<hbm>> -> memref<2000xf32, #tpu.memory_space<hbm>>
    %dma_wait3A_404 = tpu.memref_slice %arg3[%add3A_403] : memref<81920000xf32, #tpu.memory_space<hbm>> -> memref<2000xf32, #tpu.memory_space<hbm>>
    tpu.wait_dma2 semaphore(%arg13 : memref<!tpu.dma_semaphore, #tpu.memory_space<semaphore_mem>>) src(%arg4 : memref<2000xf32, #tpu.memory_space<vmem>>) dst(%dma_wait3A_404 : memref<2000xf32, #tpu.memory_space<hbm>>)
    %add3A_405 = arith.constant 2546000 : i32
    %add3A_406 = arith.addi %mul3A_4, %add3A_405 : i32
    %dma_wait3A_407 = tpu.memref_slice %arg3[%add3A_406] : memref<81920000xf32, #tpu.memory_space<hbm>> -> memref<2000xf32, #tpu.memory_space<hbm>>
    %dma_wait3A_408 = tpu.memref_slice %arg3[%add3A_406] : memref<81920000xf32, #tpu.memory_space<hbm>> -> memref<2000xf32, #tpu.memory_space<hbm>>
    tpu.wait_dma2 semaphore(%arg14 : memref<!tpu.dma_semaphore, #tpu.memory_space<semaphore_mem>>) src(%arg5 : memref<2000xf32, #tpu.memory_space<vmem>>) dst(%dma_wait3A_408 : memref<2000xf32, #tpu.memory_space<hbm>>)
    %add3A_409 = arith.constant 2548000 : i32
    %add3A_410 = arith.addi %mul3A_4, %add3A_409 : i32
    %dma_wait3A_411 = tpu.memref_slice %arg3[%add3A_410] : memref<81920000xf32, #tpu.memory_space<hbm>> -> memref<2000xf32, #tpu.memory_space<hbm>>
    %dma_wait3A_412 = tpu.memref_slice %arg3[%add3A_410] : memref<81920000xf32, #tpu.memory_space<hbm>> -> memref<2000xf32, #tpu.memory_space<hbm>>
    tpu.wait_dma2 semaphore(%arg15 : memref<!tpu.dma_semaphore, #tpu.memory_space<semaphore_mem>>) src(%arg6 : memref<2000xf32, #tpu.memory_space<vmem>>) dst(%dma_wait3A_412 : memref<2000xf32, #tpu.memory_space<hbm>>)
    %add3A_413 = arith.constant 2550000 : i32
    %add3A_414 = arith.addi %mul3A_4, %add3A_413 : i32
    %dma_wait3A_415 = tpu.memref_slice %arg3[%add3A_414] : memref<81920000xf32, #tpu.memory_space<hbm>> -> memref<2000xf32, #tpu.memory_space<hbm>>
    %dma_wait3A_416 = tpu.memref_slice %arg3[%add3A_414] : memref<81920000xf32, #tpu.memory_space<hbm>> -> memref<2000xf32, #tpu.memory_space<hbm>>
    tpu.wait_dma2 semaphore(%arg16 : memref<!tpu.dma_semaphore, #tpu.memory_space<semaphore_mem>>) src(%arg7 : memref<2000xf32, #tpu.memory_space<vmem>>) dst(%dma_wait3A_416 : memref<2000xf32, #tpu.memory_space<hbm>>)
    %add3A_417 = arith.constant 2552000 : i32
    %add3A_418 = arith.addi %mul3A_4, %add3A_417 : i32
    %dma_wait3A_419 = tpu.memref_slice %arg3[%add3A_418] : memref<81920000xf32, #tpu.memory_space<hbm>> -> memref<2000xf32, #tpu.memory_space<hbm>>
    %dma_wait3A_420 = tpu.memref_slice %arg3[%add3A_418] : memref<81920000xf32, #tpu.memory_space<hbm>> -> memref<2000xf32, #tpu.memory_space<hbm>>
    tpu.wait_dma2 semaphore(%arg17 : memref<!tpu.dma_semaphore, #tpu.memory_space<semaphore_mem>>) src(%arg8 : memref<2000xf32, #tpu.memory_space<vmem>>) dst(%dma_wait3A_420 : memref<2000xf32, #tpu.memory_space<hbm>>)
    %add3A_421 = arith.constant 2554000 : i32
    %add3A_422 = arith.addi %mul3A_4, %add3A_421 : i32
    %dma_wait3A_423 = tpu.memref_slice %arg3[%add3A_422] : memref<81920000xf32, #tpu.memory_space<hbm>> -> memref<2000xf32, #tpu.memory_space<hbm>>
    %dma_wait3A_424 = tpu.memref_slice %arg3[%add3A_422] : memref<81920000xf32, #tpu.memory_space<hbm>> -> memref<2000xf32, #tpu.memory_space<hbm>>
    tpu.wait_dma2 semaphore(%arg18 : memref<!tpu.dma_semaphore, #tpu.memory_space<semaphore_mem>>) src(%arg9 : memref<2000xf32, #tpu.memory_space<vmem>>) dst(%dma_wait3A_424 : memref<2000xf32, #tpu.memory_space<hbm>>)
    %add3A_425 = arith.constant 2556000 : i32
    %add3A_426 = arith.addi %mul3A_4, %add3A_425 : i32
    %dma_wait3A_427 = tpu.memref_slice %arg3[%add3A_426] : memref<81920000xf32, #tpu.memory_space<hbm>> -> memref<2000xf32, #tpu.memory_space<hbm>>
    %dma_wait3A_428 = tpu.memref_slice %arg3[%add3A_426] : memref<81920000xf32, #tpu.memory_space<hbm>> -> memref<2000xf32, #tpu.memory_space<hbm>>
    tpu.wait_dma2 semaphore(%arg19 : memref<!tpu.dma_semaphore, #tpu.memory_space<semaphore_mem>>) src(%arg10 : memref<2000xf32, #tpu.memory_space<vmem>>) dst(%dma_wait3A_428 : memref<2000xf32, #tpu.memory_space<hbm>>)
    %add3A_429 = arith.constant 2558000 : i32
    %add3A_430 = arith.addi %mul3A_4, %add3A_429 : i32
    %dma_wait3A_431 = tpu.memref_slice %arg3[%add3A_430] : memref<81920000xf32, #tpu.memory_space<hbm>> -> memref<2000xf32, #tpu.memory_space<hbm>>
    %dma_wait3A_432 = tpu.memref_slice %arg3[%add3A_430] : memref<81920000xf32, #tpu.memory_space<hbm>> -> memref<2000xf32, #tpu.memory_space<hbm>>
    tpu.wait_dma2 semaphore(%arg20 : memref<!tpu.dma_semaphore, #tpu.memory_space<semaphore_mem>>) src(%arg11 : memref<2000xf32, #tpu.memory_space<vmem>>) dst(%dma_wait3A_432 : memref<2000xf32, #tpu.memory_space<hbm>>)
    return
  }
}

</mosaic_0001>

<sc_bundles>
// kernel: kernel.3.cloned.1.call-start
scs
__scs_entry_jumppad:
0x0: {  	(pc) =	sbr.rel $0x88, $3  }
0x1: {  	(tag) =	ssettag $0x0;
	lr =	simm.s32 $0x1  }
0x2: {  	[smem:$0x3FA0] =	sst lr;
	_ =	strace $0xD0000000  }
0x3: {  	_ = 	snop  }
0x4: {  	_ = 	snop  }
0x5: {  	_ = 	snop  }
0x6: {  	_ = 	snop  }
0x7: {  	_ = 	snop  }
__scs_overlays_trampoline_lowered:
0x8: {  	[smem:$0x3FAF] =	sst s0  }
0x9: {  	[smem:$0x3FB0] =	sst s1  }
0xa: {  	[smem:$0x3FB1] =	sst s2  }
0xb: {  	[smem:$0x3FB2] =	sst s3  }
0xc: {  	[smem:$0x3FB3] =	sst s4  }
0xd: {  	[smem:$0x3FB4] =	sst s5  }
0xe: {  	[smem:$0x3FB5] =	sst s6  }
0xf: {  	[smem:$0x3FB6] =	sst s7  }
0x10: {  	[smem:$0x3FB7] =	sst s8  }
0x11: {  	[smem:$0x3FB8] =	sst s9;
	s0 =	simm.s32 @!p0 $0x0  }
0x12: {  	s1 =	sld [smem:$0x3F9E];
	s0 =	simm.s32 @p0 $0x1  }
0x13: {  	[smem:$0x3FB9] =	sst s0;
	s0 =	simm.s32 @!p1 $0x0  }
0x14: {  	s2 =	sld [smem:$0x3F9D];
	s0 =	simm.s32 @p1 $0x1  }
0x15: {  	[smem:$0x3FBA] =	sst s0;
	s0 =	simm.s32 @!p2 $0x0  }
0x16: {  	s3 =	sld [smem:$0x3FDB];
	s0 =	simm.s32 @p2 $0x1  }
0x17: {  	s4 =	simm.s32 $0x1BF5;
	[smem:$0x3FBC] =	sst s0  }
0x18: {  	s0 =	sld [smem:$0x3F9F];
	_ =	swait.ge [sflag:s4], $0x0  }
0x19: {  	s7 =	sld [smem:$0x3FA0]  }
0x1a: {  	s8 =	sadd.s32 $0xFFFFE003, lr  }
0x1b: {  	s9 =	sadd.s32 $0xFFFFFEF7, lr;
	s5 =	simm.s32 $0xFFFFFFFF;
	p2 =	slt.u32 s8, $0xFFFFF086  }
0x1c: {  	p1 =	slt.u32 s9, $0xF7A;
	s5 =	simm.s32 @!p2 $0x0  }
0x1d: {  	s5 =	simm.s32 @p1 $0x1;
	p0 =	seq.s32 s7, s2  }
0x1e: {  	s7 =	smul.u32 @!p0 $0xF7A, s2;
	p2 =	seq.s32 @!p0 s5, $0x0  }
0x1f: {  	s9 =	smul.u32 $0xF7A, s1;
	s8 =	simm.s32 @!p0 $0x1BF5;
	p2 =	por !p2, p0  }
0x20: {  	[sflag:s8] =	ssyncset.s32 @!p0 $0xFFFFF086;
	s6 =	sadd.s32 @!p0 s3, s7;
	s7 =	simm.s32 @!p0 $0x108  }
0x21: {  	s3 =	sadd.s32 s3, s9;
	s6 =	sadd.s32 @!p0 $0x88, s6;
	s7 =	simm.s32 @p2 $0x1082  }
0x22: {  	[simem:s7], [sflag:s8] =	dma.local @!p0 [hbm:s6], $0xF7A  }
0x23: {  	s9 =	sor.u32 $0xD0000000, s2;
	s6 =	simm.s32 $0x108;
	_ =	swait.ge @!p0 [sflag:s8], $0x0  }
0x24: {  	s3 =	sadd.s32 $0x88, s3;
	s6 =	simm.s32 @!p1 $0x1082;
	[sflag:s4] =	ssyncset.s32 $0xFFFFF086  }
0x25: {  	[simem:s6], [sflag:s4] =	dma.local [hbm:s3], $0xF7A  }
0x26: {  	[smem:$0x3FA0] =	sst s1;
	(tag) =	ssettag s2;
	_ =	strace s9  }
0x27: {  	s1 =	sld [smem:$0x3FB0]  }
0x28: {  	s2 =	sld [smem:$0x3FB1]  }
0x29: {  	s4 =	sld [smem:$0x3FB3]  }
0x2a: {  	p0 =	seq.s32 s5, $0x0;
	s5 =	sld [smem:$0x3FB4]  }
0x2b: {  	s6 =	sld [smem:$0x3FB5]  }
0x2c: {  	s7 =	sld [smem:$0x3FB6]  }
0x2d: {  	s3 =	simm.s32 $0x108;
	s8 =	sld [smem:$0x3FB7]  }
0x2e: {  	s3 =	simm.s32 @!p0 $0x1082;
	s9 =	sld [smem:$0x3FB8]  }
0x2f: {  	lr =	sadd.s32 s0, s3;
	s0 =	sld [smem:$0x3FAF]  }
0x30: {  	s3 =	sld [smem:$0x3FB2]  }
0x31: {  	[smem:$0x3FBB] =	sst s10  }
0x32: {  	s10 =	sld [smem:$0x3FB9];
	_ =	sdelay $0x3  }
0x33: {  	p0 =	seq.s32 s10, $0x1;
	s10 =	sld [smem:$0x3FBB];
	_ =	sdelay $0x3  }
0x34: {  	[smem:$0x3FBB] =	sst s10  }
0x35: {  	s10 =	sld [smem:$0x3FBA];
	_ =	sdelay $0x3  }
0x36: {  	p1 =	seq.s32 s10, $0x1;
	s10 =	sld [smem:$0x3FBB];
	_ =	sdelay $0x3  }
0x37: {  	[smem:$0x3FBB] =	sst s10  }
0x38: {  	s10 =	sld [smem:$0x3FBC]  }
0x39: {  	_ = 	snop;
	(pc) =	sbr.ind lr, $3  }
0x3a: {  	_ = 	snop  }
0x3b: {  	_ = 	snop  }
0x3c: {  	p2 =	seq.s32 s10, $0x1;
	s10 =	sld [smem:$0x3FBB]  }
0x3d: {  	_ =	shalt  }
0x3e: {  	_ =	shalt  }
0x3f: {  	_ =	shalt  }
0x40: {  	_ =	shalt  }
0x41: {  	_ =	shalt  }
0x42: {  	_ =	shalt  }
0x43: {  	_ =	shalt  }
0x44: {  	_ =	shalt  }
0x45: {  	_ =	shalt  }
0x46: {  	_ =	shalt  }
0x47: {  	_ =	shalt  }
0x48: {  	_ =	shalt  }
0x49: {  	_ =	shalt  }
0x4a: {  	_ =	shalt  }
0x4b: {  	_ =	shalt  }
0x4c: {  	_ =	shalt  }
0x4d: {  	_ =	shalt  }
0x4e: {  	_ =	shalt  }
0x4f: {  	_ =	shalt  }
0x50: {  	_ =	shalt  }
0x51: {  	_ =	shalt  }
0x52: {  	_ =	shalt  }
0x53: {  	_ =	shalt  }
0x54: {  	_ =	shalt  }
0x55: {  	_ =	shalt  }
0x56: {  	_ =	shalt  }
0x57: {  	_ =	shalt  }
0x58: {  	_ =	shalt  }
0x59: {  	_ =	shalt  }
0x5a: {  	_ =	shalt  }
0x5b: {  	_ =	shalt  }
0x5c: {  	_ =	shalt  }
0x5d: {  	_ =	shalt  }
0x5e: {  	_ =	shalt  }
0x5f: {  	_ =	shalt  }
0x60: {  	_ =	shalt  }
0x61: {  	_ =	shalt  }
0x62: {  	_ =	shalt  }
0x63: {  	_ =	shalt  }
0x64: {  	_ =	shalt  }
0x65: {  	_ =	shalt  }
0x66: {  	_ =	shalt  }
0x67: {  	_ =	shalt  }
0x68: {  	_ =	shalt  }
0x69: {  	_ =	shalt  }
0x6a: {  	_ =	shalt  }
0x6b: {  	_ =	shalt  }
0x6c: {  	_ =	shalt  }
0x6d: {  	_ =	shalt  }
0x6e: {  	_ =	shalt  }
0x6f: {  	_ =	shalt  }
0x70: {  	_ =	shalt  }
0x71: {  	_ =	shalt  }
0x72: {  	_ =	shalt  }
0x73: {  	_ =	shalt  }
0x74: {  	_ =	shalt  }
0x75: {  	_ =	shalt  }
0x76: {  	_ =	shalt  }
0x77: {  	_ =	shalt  }
0x78: {  	_ =	shalt  }
0x79: {  	_ =	shalt  }
0x7a: {  	_ =	shalt  }
0x7b: {  	_ =	shalt  }
0x7c: {  	_ =	shalt  }
0x7d: {  	_ =	shalt  }
0x7e: {  	_ =	shalt  }
0x7f: {  	_ =	shalt  }
0x80: {  	_ =	shalt  }
0x81: {  	_ =	shalt  }
0x82: {  	_ =	shalt  }
0x83: {  	_ =	shalt  }
0x84: {  	_ =	shalt  }
0x85: {  	_ =	shalt  }
0x86: {  	_ =	shalt  }
0x87: {  	_ =	shalt  }
.Lfunc_end0:
.L_simem_size_0:
called_computation.1_lowered:
.L_overlay_start_0:
0x88: {  	s2 =	sld [smem:$0x3FD9]  }
0x89: {  	s3 =	sld [smem:$0x3FFE];
	_ =	sdelay $0x1  }
0x8a: {  	s1 =	srdreg.scid  }
0x8b: {  	s0 =	sand.u32 $0x1, s1  }
0x8c: {  	s17 =	sshll.u32 s0, $0xA;
	s2 =	sadd.s32 s3, s2  }
0x8d: {  	s2 =	sadd.s32 s2, s17  }
0x8e: {  	[smem:$0x3FC7] =	sst s2  }
0x8f: {  	_ = 	snop  }
0x90: {  	s2 =	sld [smem:$0x3FD0];
	(tm) =	ssettm $0x1  }
0x91: {  	s18 =	sld [smem:$0x3FFB];
	_ =	sdelay $0x3  }
0x92: {  	_ =	strace s18  }
0x93: {  	s3 =	sld [smem:$0x3FFC];
	_ =	sdelay $0x3  }
0x94: {  	_ =	strace s3  }
0x95: {  	s3 =	sld [smem:$0x3FFD];
	_ =	sdelay $0x3  }
0x96: {  	_ =	strace s3  }
0x97: {  	_ =	strace $0x8FFFFFFF  }
0x98: {  	s19 =	sld [smem:$0x3FDB];
	_ =	sdelay $0x1  }
0x99: {  	s4 =	simm.s32 $_scs_section_size  }
0x9a: {  	s5 =	simm.s32 $_size__tile_overlayer_lowered;
	s6 =	simm.s32 $_tile_overlayer_lowered  }
0x9b: {  	s22 =	simm.s32 $0x1BFF;
	s21 =	sshll.u32 s6, $0x1;
	s3 =	sadd.s32 s4, s19  }
0x9c: {  	s7 =	simm.s32 $0x0;
	s20 =	sshll.u32 s5, $0x1;
	s5 =	sadd.s32 s21, s3  }
0x9d: {  	[timem:s7], [sflag:s22] =	dma.local [hbm:s5], s20  }
0x9e: {  	_ =	swait.ge [sflag:s22], s20  }
0x9f: {  	s4 =	ssub.s32 $0x0, s20;
	[sflag:s22] =	ssyncset.done $0x0  }
0xa0: {  	[sflag:s22] =	ssyncadd.s32 s4;
	_ =	sdelay $0x1  }
0xa1: {  	s23 =	simm.s32 $0x1B8B  }
0xa2: {  	_ =	swait.ge [sflag:s23], $0x1  }
0xa3: {  	[sflag:s23] =	ssyncset.done $0x0  }
0xa4: {  	s25 =	simm.s32 $0x1B8E;
	s24 =	sld [smem:$0x3FFE];
	[sflag:s23] =	ssyncadd.s32 $0xFFFFFFFF  }
0xa5: {  	s26 =	simm.s32 $execute0_lowered;
	[smem:$0x3FD2] =	sst s25  }
0xa6: {  	s5 =	sshll.u32 s26, $0x1;
	_ =	strace $0x80000046;
	[dreg:$0x1] =	wrdreg $0xFFFFFFFF  }
0xa7: {  	s28 =	simm.s32 $_size_execute0_lowered;
	s3 =	sadd.s32 s3, s5;
	[dreg:$0x0] =	wrdreg $0x0  }
0xa8: {  	s5 =	sshll.u32 s28, $0x1;
	[dreg:$0x2] =	wrdreg s3  }
0xa9: {  	[dreg:$0x3] =	wrdreg s5  }
0xaa: {  	[dreg:$0x4] =	wrdreg $0xC0  }
0xab: {  	_ =	task [dreg:s7], $0x5FFFF  }
0xac: {  	[dreg:$0x1] =	wrdreg $0xFFFFFFFF  }
0xad: {  	[dreg:$0x0] =	wrdreg $0x60  }
0xae: {  	[dreg:$0x2] =	wrdreg s24  }
0xaf: {  	[dreg:$0x3] =	wrdreg s2  }
0xb0: {  	[dreg:$0x4] =	wrdreg $0x9  }
0xb1: {  	_ =	task.clear_ibuf [dreg:s7], $0x5FFFF;
	_ =	strace $0x90000046  }
0xb2: {  	s29 =	simm.s32 $0x9;
	_ =	strace $0x80000048  }
0xb3: {  	_ =	swait.ge [sflag:s29], $0x1  }
0xb4: {  	[sflag:s29] =	ssyncadd.s32 $0xFFFFFFFF  }
0xb5: {  	_ =	strace $0x90000048  }
0xb6: {  	_ =	sfence  }
0xb7: {  	s30 =	sld [smem:$0x0];
	_ =	sdelay $0x2  }
0xb8: {  	s31 =	sshll.u32 s1, $0xD;
	s1 =	sshrl.u32 s1, $0x2  }
0xb9: {  	s3 =	sand.u32 $0x4000, s31;
	s1 =	sadd.s32 s1, s30  }
0xba: {  	s0 =	sor.u32 s3, s0;
	s1 =	sshll.u32 s1, $0x11  }
0xbb: {  	s0 =	sor.u32 s1, s0  }
0xbc: {  	s0 =	sadd.s32 $0x8F2B, s0  }
0xbd: {  	[sflag:s0] =	ssyncadd.remote.s32 $0x1  }
0xbe: {  	_ =	sfence.sel $0xFFFF  }
0xbf: {  	[dreg:$0x0] =	wrdreg $0xFFFFFFFF;
	(pc) =	sbr.abs _section_cstart, $3  }
0xc0: {  	[dreg:$0x1] =	wrdreg $0xFFFFFFFF  }
0xc1: {  	_ =	task.clear_ibuf [dreg:s7], $0x2FFFF;
	_ =	strace $0x9FFFFFFF  }
0xc2: {  	(tm) =	ssettm $0x7FFFFFFF  }
0xc3: {  	_ =	shalt  }
tec
execute0_lowered:
.L_overlay_start_1:
0x0: {  	(tag) =	ssettag $0x1  }
0x1: {  	s0 =	srdreg.scid;
	s1 =	rddreg [dreg:$0x0]  }
0x2: {  	s7 =	stileid.u32;
	s2 =	rddreg [dreg:$0x1];
	s28 =	simm.s32 $0x4  }
0x3: {  	s0 =	sand.u32 $0x1, s0;
	s3 =	sshll.u32 s7, $0x1;
	s7 =	smul.u32 $0x4E2000, s7  }
0x4: {  	s4 =	sor.u32 s0, s3;
	s6 =	ssub.s32 $0x2, s0;
	s0 =	smul.u32 $0x271000, s0  }
0x5: {  	s29 =	simm.s32 $0x5;
	s3 =	simm.s32 $0x0;
	s5 =	smul.u32 $0x140, s4  }
0x6: {  	s30 =	simm.s32 $0x6;
	[smem:$0x7FF] =	sst s3;
	s4 =	smul.u32 $0x271000, s4  }
0x7: {  	s31 =	simm.s32 $0x7;
	s8 =	sshrl.u32 s6, $0x1;
	_ =	strace $0x80000047  }
0x8: {  	s8 =	ssub.s32 s6, s8;
	s0 =	sadd.s32 s0, s7;
	s4 =	sshrl.u32 s4, $0x3  }
0x9: {  	s1 =	sadd.s32 s5, s1;
	s13 =	sadd.s32 $0x4650, s0;
	s14 =	sadd.s32 $0x4E20, s0  }
0xa: {  	s16 =	sadd.s32 $0x55F0, s0;
	s20 =	sadd.s32 $0x6590, s0;
	s22 =	sadd.s32 $0x6D60, s0  }
0xb: {  	s23 =	sadd.s32 $0x7530, s0;
	s4 =	sadd.s32 s2, s4;
	s1 =	sadd.s32 $0x800, s1  }
0xc: {  	s15 =	sshrl.u32 s14, $0x3;
	s6 =	sshrl.u32 s16, $0x3;
	s21 =	sshrl.u32 s20, $0x3  }
0xd: {  	s25 =	sshrl.u32 s23, $0x3;
	s16 =	simm.s32 $0x9;
	s20 =	simm.s32 $0x2000  }
0xe: {  	s23 =	simm.s32 $0x3800;
	[dreg:$0xa] =	wrdreg s1;
	s10 =	sadd.s32 $0xFA, s4  }
0xf: {  	s11 =	sadd.s32 $0x1F4, s4;
	s12 =	sadd.s32 $0x2EE, s4;
	s9 =	sadd.s32 $0x3E8, s4  }
0x10: {  	s1 =	sshrl.u32 s13, $0x3;
	s17 =	sadd.s32 s6, s2;
	s6 =	sshrl.u32 s22, $0x3  }
0x11: {  	s26 =	sadd.s32 s25, s2;
	s13 =	smax.u32 s8, $0x1;
	[dreg:$0xb] =	wrdreg s10  }
0x12: {  	s22 =	simm.s32 $0x3000;
	s25 =	simm.s32 $0x2;
	[dreg:$0xc] =	wrdreg s11  }
0x13: {  	[dreg:$0xd] =	wrdreg s12;
	s10 =	sadd.s32 $0x4E2, s4;
	s11 =	sadd.s32 $0x5DC, s4  }
0x14: {  	s1 =	sadd.s32 s1, s2;
	s12 =	sadd.s32 $0x5DC0, s0;
	[dreg:$0x5] =	wrdreg s17  }
0x15: {  	s24 =	sadd.s32 s6, s2;
	s6 =	sadd.s32 $0x3E80, s0;
	[dreg:$0x9] =	wrdreg s26  }
0x16: {  	s17 =	simm.s32 $0x800;
	s26 =	simm.s32 $0x3;
	s0 =	simm.s32 $0x0  }
0x17: {  	[dreg:$0x3] =	wrdreg s1;
	s1 =	sadd.s32 s15, s2;
	s18 =	sshrl.u32 s12, $0x3  }
0x18: {  	s12 =	sadd.s32 $0x6D6, s4;
	[dreg:$0x8] =	wrdreg s24;
	s24 =	simm.s32 $0x1  }
0x19: {  	[dreg:$0x4] =	wrdreg s1;
	s19 =	sadd.s32 s18, s2;
	s1 =	sadd.s32 s21, s2  }
0x1a: {  	s18 =	simm.s32 $0x1000;
	s21 =	simm.s32 $0x2800;
	[dreg:$0x6] =	wrdreg s19  }
0x1b: {  	v0 =	vimm.f32 $0.0e+00;
	v1 =	vlaneseq.u32;
	[dreg:$0x7] =	wrdreg s1;
	s19 =	simm.s32 $0x1800;
	s1 =	simm.s32 $0x8  }
.LBB2_1:
0x1c: {  	s5 =	rddreg [dreg:$0xa];
	s7 =	simm.s32 $0x4000  }
0x1d: {  	[tilespmem:s7], [sflag:$0x9] =	stream.linear.gather [hbm4b:s5+s3], $0xA00, $0x38;
	[tilespmem:$0x4A80] =	vst v63  }
0x1e: {  	_ =	swait.ge [sflag:s16], $0xA00  }
0x1f: {  	[sflag:s16] =	ssyncset.done $0x0  }
0x20: {  	s14 =	simm.s32 $0x40;
	s5 =	simm.s32 $0x0;
	[sflag:s16] =	ssyncadd.s32 $0xFFFFF600  }
.LBB2_2:
0x21: {  	p0 =	sne.s32 s14, $0x1F00;
	[tilespmem:s5+$0x3800] =	vst v0  }
0x22: {  	[tilespmem:s5+$0x0] =	vst v0  }
0x23: {  	[tilespmem:s5+$0x800] =	vst v0  }
.Ltmp0:
0x24: {  	[tilespmem:s5+$0x1000] =	vst v0;
	(pc) =	sbr.rel @p0 .LBB2_2-.Ltmp0, $4  }
0x25: {  	[tilespmem:s5+$0x1800] =	vst v0  }
0x26: {  	[tilespmem:s5+$0x2000] =	vst v0  }
0x27: {  	[tilespmem:s5+$0x2800] =	vst v0  }
0x28: {  	[tilespmem:s5+$0x3000] =	vst v0;
	s5 =	sshra.s32 s14, $0x2;
	s14 =	sadd.s32 $0x40, s14  }
0x29: {  	[tilespmem:s5+$0x3800] =	vst v0  }
0x2a: {  	[tilespmem:s5+$0x0] =	vst v0  }
0x2b: {  	[tilespmem:s5+$0x800] =	vst v0  }
0x2c: {  	[tilespmem:s5+$0x1000] =	vst v0  }
0x2d: {  	[tilespmem:s5+$0x1800] =	vst v0  }
0x2e: {  	[tilespmem:s5+$0x2000] =	vst v0  }
0x2f: {  	[tilespmem:s5+$0x2800] =	vst v0  }
0x30: {  	[tilespmem:s5+$0x3000] =	vst v0  }
0x31: {  	v2 =	vld [tilespmem:$0x4000];
	_ =	sdelay $0x4  }
0x32: {  	(v2sf) =	vpush v2, $0x0;
	_ =	sdelay $0x5  }
0x33: {  	(v2sf) =	vpush v2, $0x1;
	_ =	sdelay $0x8  }
0x34: {  	s7 =	spop (v2sf)  }
0x35: {  	s14 =	sand.u32 $0xFFFFFFF0, s7  }
0x36: {  	v2 =	vld [tilespmem:s14+$0x0];
	_ =	sdelay $0x1  }
0x37: {  	s5 =	sand.u32 $0xF, s7  }
0x38: {  	v3 =	vmov s5  }
0x39: {  	s8 =	spop (v2sf);
	vm0 =	veq.s32 v3, v1  }
0x3a: {  	s5 =	sadd.s32 $0x3E8, s8;
	v2 =	vsel vm0, $0x3F800000, v2  }
0x3b: {  	s15 =	sand.u32 $0xFFFFFFF0, s5;
	[tilespmem:s14+$0x0] =	vst v2  }
0x3c: {  	v2 =	vld [tilespmem:s15+$0x0];
	_ =	sdelay $0x1  }
0x3d: {  	s5 =	sand.u32 $0xF, s5  }
0x3e: {  	v3 =	vmov s5  }
0x3f: {  	vm13 =	veq.s32 v3, v1  }
0x40: {  	v2 =	vsel vm13, $0x3F800000, v2  }
0x41: {  	[tilespmem:s15+$0x0] =	vst v2;
	s15 =	simm.s32 $0x0  }
0x42: {  	[hbm4b:s4+s15] =	stream.linear.scatter [tilespmem:s15], [sflag:$0x1], $0x7D0, $0x38;
	[tilespmem:$0x4A80] =	vst v63  }
0x43: {  	v2 =	vld [tilespmem:$0x4002];
	_ =	sdelay $0x4  }
0x44: {  	(v2sf) =	vpush v2, $0x0;
	_ =	sdelay $0x5  }
0x45: {  	(v2sf) =	vpush v2, $0x1;
	_ =	sdelay $0x8  }
0x46: {  	s7 =	spop (v2sf)  }
0x47: {  	s8 =	sand.u32 $0xFFFFFFF0, s7  }
0x48: {  	v2 =	vld [tilespmem:s8+$0x800];
	_ =	sdelay $0x1  }
0x49: {  	s5 =	sand.u32 $0xF, s7  }
0x4a: {  	v3 =	vmov s5  }
0x4b: {  	s7 =	spop (v2sf);
	vm14 =	veq.s32 v3, v1  }
0x4c: {  	s5 =	sadd.s32 $0x3E8, s7;
	v2 =	vsel vm14, $0x3F800000, v2  }
0x4d: {  	[tilespmem:s8+$0x800] =	vst v2;
	s8 =	sand.u32 $0xFFFFFFF0, s5  }
0x4e: {  	v2 =	vld [tilespmem:s8+$0x800];
	_ =	sdelay $0x1  }
0x4f: {  	s5 =	sand.u32 $0xF, s5  }
0x50: {  	v3 =	vmov s5  }
0x51: {  	vm15 =	veq.s32 v3, v1  }
0x52: {  	v2 =	vsel vm15, $0x3F800000, v2  }
0x53: {  	s14 =	rddreg [dreg:$0xb];
	[tilespmem:s8+$0x800] =	vst v2  }
0x54: {  	[hbm4b:s14+s15] =	stream.linear.scatter [tilespmem:s17], [sflag:$0x2], $0x7D0, $0x38;
	[tilespmem:$0x4A80] =	vst v63  }
0x55: {  	v2 =	vld [tilespmem:$0x4004];
	_ =	sdelay $0x4  }
0x56: {  	(v2sf) =	vpush v2, $0x0;
	_ =	sdelay $0x5  }
0x57: {  	(v2sf) =	vpush v2, $0x1;
	_ =	sdelay $0x8  }
0x58: {  	s7 =	spop (v2sf)  }
0x59: {  	s8 =	sand.u32 $0xFFFFFFF0, s7  }
0x5a: {  	v2 =	vld [tilespmem:s8+$0x1000];
	_ =	sdelay $0x1  }
0x5b: {  	s5 =	sand.u32 $0xF, s7  }
0x5c: {  	v3 =	vmov s5  }
0x5d: {  	s7 =	spop (v2sf);
	vm4 =	veq.s32 v3, v1  }
0x5e: {  	s5 =	sadd.s32 $0x3E8, s7;
	v2 =	vsel vm4, $0x3F800000, v2  }
0x5f: {  	[tilespmem:s8+$0x1000] =	vst v2;
	s8 =	sand.u32 $0xFFFFFFF0, s5  }
0x60: {  	v2 =	vld [tilespmem:s8+$0x1000];
	_ =	sdelay $0x1  }
0x61: {  	s5 =	sand.u32 $0xF, s5  }
0x62: {  	v3 =	vmov s5  }
0x63: {  	vm5 =	veq.s32 v3, v1  }
0x64: {  	v2 =	vsel vm5, $0x3F800000, v2  }
0x65: {  	s14 =	rddreg [dreg:$0xc];
	[tilespmem:s8+$0x1000] =	vst v2  }
0x66: {  	[hbm4b:s14+s15] =	stream.linear.scatter [tilespmem:s18], [sflag:$0x3], $0x7D0, $0x38;
	[tilespmem:$0x4A80] =	vst v63  }
0x67: {  	v2 =	vld [tilespmem:$0x4006];
	_ =	sdelay $0x4  }
0x68: {  	(v2sf) =	vpush v2, $0x0;
	_ =	sdelay $0x5  }
0x69: {  	(v2sf) =	vpush v2, $0x1;
	_ =	sdelay $0x8  }
0x6a: {  	s7 =	spop (v2sf)  }
0x6b: {  	s8 =	sand.u32 $0xFFFFFFF0, s7  }
0x6c: {  	v2 =	vld [tilespmem:s8+$0x1800];
	_ =	sdelay $0x1  }
0x6d: {  	s5 =	sand.u32 $0xF, s7  }
0x6e: {  	v3 =	vmov s5  }
0x6f: {  	s7 =	spop (v2sf);
	vm6 =	veq.s32 v3, v1  }
0x70: {  	s5 =	sadd.s32 $0x3E8, s7;
	v2 =	vsel vm6, $0x3F800000, v2  }
0x71: {  	[tilespmem:s8+$0x1800] =	vst v2;
	s8 =	sand.u32 $0xFFFFFFF0, s5  }
0x72: {  	v2 =	vld [tilespmem:s8+$0x1800];
	_ =	sdelay $0x1  }
0x73: {  	s5 =	sand.u32 $0xF, s5  }
0x74: {  	v3 =	vmov s5  }
0x75: {  	vm7 =	veq.s32 v3, v1  }
0x76: {  	v2 =	vsel vm7, $0x3F800000, v2  }
0x77: {  	s14 =	rddreg [dreg:$0xd];
	[tilespmem:s8+$0x1800] =	vst v2  }
0x78: {  	[hbm4b:s14+s15] =	stream.linear.scatter [tilespmem:s19], [sflag:$0x4], $0x7D0, $0x38;
	[tilespmem:$0x4A80] =	vst v63  }
0x79: {  	v2 =	vld [tilespmem:$0x4008];
	_ =	sdelay $0x4  }
0x7a: {  	(v2sf) =	vpush v2, $0x0;
	_ =	sdelay $0x5  }
0x7b: {  	(v2sf) =	vpush v2, $0x1;
	_ =	sdelay $0x8  }
0x7c: {  	s7 =	spop (v2sf)  }
0x7d: {  	s8 =	sand.u32 $0xFFFFFFF0, s7  }
0x7e: {  	v2 =	vld [tilespmem:s8+$0x2000];
	_ =	sdelay $0x1  }
0x7f: {  	s5 =	sand.u32 $0xF, s7  }
0x80: {  	v3 =	vmov s5  }
0x81: {  	s7 =	spop (v2sf);
	vm8 =	veq.s32 v3, v1  }
0x82: {  	s5 =	sadd.s32 $0x3E8, s7;
	v2 =	vsel vm8, $0x3F800000, v2  }
0x83: {  	[tilespmem:s8+$0x2000] =	vst v2;
	s8 =	sand.u32 $0xFFFFFFF0, s5  }
0x84: {  	v2 =	vld [tilespmem:s8+$0x2000];
	_ =	sdelay $0x1  }
0x85: {  	s5 =	sand.u32 $0xF, s5  }
0x86: {  	v3 =	vmov s5  }
0x87: {  	vm9 =	veq.s32 v3, v1  }
0x88: {  	v2 =	vsel vm9, $0x3F800000, v2  }
0x89: {  	[tilespmem:s8+$0x2000] =	vst v2  }
0x8a: {  	[hbm4b:s9+s15] =	stream.linear.scatter [tilespmem:s20], [sflag:$0x5], $0x7D0, $0x38;
	[tilespmem:$0x4A80] =	vst v63  }
0x8b: {  	v2 =	vld [tilespmem:$0x400A];
	_ =	sdelay $0x4  }
0x8c: {  	(v2sf) =	vpush v2, $0x0;
	_ =	sdelay $0x5  }
0x8d: {  	(v2sf) =	vpush v2, $0x1;
	_ =	sdelay $0x8  }
0x8e: {  	s7 =	spop (v2sf)  }
0x8f: {  	s8 =	sand.u32 $0xFFFFFFF0, s7  }
0x90: {  	v2 =	vld [tilespmem:s8+$0x2800];
	_ =	sdelay $0x1  }
0x91: {  	s5 =	sand.u32 $0xF, s7  }
0x92: {  	v3 =	vmov s5  }
0x93: {  	s7 =	spop (v2sf);
	vm10 =	veq.s32 v3, v1  }
0x94: {  	s5 =	sadd.s32 $0x3E8, s7;
	v2 =	vsel vm10, $0x3F800000, v2  }
0x95: {  	[tilespmem:s8+$0x2800] =	vst v2;
	s8 =	sand.u32 $0xFFFFFFF0, s5  }
0x96: {  	v2 =	vld [tilespmem:s8+$0x2800];
	_ =	sdelay $0x1  }
0x97: {  	s5 =	sand.u32 $0xF, s5  }
0x98: {  	v3 =	vmov s5  }
0x99: {  	vm11 =	veq.s32 v3, v1  }
0x9a: {  	v2 =	vsel vm11, $0x3F800000, v2  }
0x9b: {  	[tilespmem:s8+$0x2800] =	vst v2  }
0x9c: {  	[hbm4b:s10+s15] =	stream.linear.scatter [tilespmem:s21], [sflag:$0x6], $0x7D0, $0x38;
	[tilespmem:$0x4A80] =	vst v63  }
0x9d: {  	v2 =	vld [tilespmem:$0x400C];
	_ =	sdelay $0x4  }
0x9e: {  	(v2sf) =	vpush v2, $0x0;
	_ =	sdelay $0x5  }
0x9f: {  	(v2sf) =	vpush v2, $0x1;
	_ =	sdelay $0x8  }
0xa0: {  	s7 =	spop (v2sf)  }
0xa1: {  	s8 =	sand.u32 $0xFFFFFFF0, s7  }
0xa2: {  	v2 =	vld [tilespmem:s8+$0x3000];
	_ =	sdelay $0x1  }
0xa3: {  	s5 =	sand.u32 $0xF, s7  }
0xa4: {  	v3 =	vmov s5  }
0xa5: {  	s7 =	spop (v2sf);
	vm12 =	veq.s32 v3, v1  }
0xa6: {  	s5 =	sadd.s32 $0x3E8, s7;
	v2 =	vsel vm12, $0x3F800000, v2  }
0xa7: {  	[tilespmem:s8+$0x3000] =	vst v2;
	s8 =	sand.u32 $0xFFFFFFF0, s5  }
0xa8: {  	v2 =	vld [tilespmem:s8+$0x3000];
	_ =	sdelay $0x1  }
0xa9: {  	s5 =	sand.u32 $0xF, s5  }
0xaa: {  	v3 =	vmov s5  }
0xab: {  	vm13 =	veq.s32 v3, v1  }
0xac: {  	v2 =	vsel vm13, $0x3F800000, v2  }
0xad: {  	[tilespmem:s8+$0x3000] =	vst v2  }
0xae: {  	[hbm4b:s11+s15] =	stream.linear.scatter [tilespmem:s22], [sflag:$0x7], $0x7D0, $0x38;
	[tilespmem:$0x4A80] =	vst v63  }
0xaf: {  	v2 =	vld [tilespmem:$0x400E];
	_ =	sdelay $0x4  }
0xb0: {  	(v2sf) =	vpush v2, $0x0;
	_ =	sdelay $0x5  }
0xb1: {  	(v2sf) =	vpush v2, $0x1;
	_ =	sdelay $0x8  }
0xb2: {  	s7 =	spop (v2sf)  }
0xb3: {  	s8 =	sand.u32 $0xFFFFFFF0, s7  }
0xb4: {  	v2 =	vld [tilespmem:s8+$0x3800];
	_ =	sdelay $0x1  }
0xb5: {  	s5 =	sand.u32 $0xF, s7  }
0xb6: {  	v3 =	vmov s5  }
0xb7: {  	s7 =	spop (v2sf);
	vm14 =	veq.s32 v3, v1  }
0xb8: {  	s5 =	sadd.s32 $0x3E8, s7;
	v2 =	vsel vm14, $0x3F800000, v2  }
0xb9: {  	[tilespmem:s8+$0x3800] =	vst v2;
	s8 =	sand.u32 $0xFFFFFFF0, s5  }
0xba: {  	v2 =	vld [tilespmem:s8+$0x3800];
	_ =	sdelay $0x1  }
0xbb: {  	s5 =	sand.u32 $0xF, s5  }
0xbc: {  	v3 =	vmov s5  }
0xbd: {  	vm15 =	veq.s32 v3, v1  }
0xbe: {  	v2 =	vsel vm15, $0x3F800000, v2  }
0xbf: {  	s14 =	smov.u32 s6;
	s5 =	simm.s32 $0x4010;
	[tilespmem:s8+$0x3800] =	vst v2  }
0xc0: {  	[hbm4b:s12+s15] =	stream.linear.scatter [tilespmem:s23], [sflag:$0x8], $0x7D0, $0x38;
	[tilespmem:$0x4A80] =	vst v63  }
.LBB2_4:
0xc1: {  	_ =	swait.ge [sflag:s24], $0x7D0  }
0xc2: {  	[sflag:s24] =	ssyncset.done $0x0  }
0xc3: {  	[sflag:s24] =	ssyncadd.s32 $0xFFFFF830  }
0xc4: {  	v2 =	vld [tilespmem:s5+$0xFFFFFFF0];
	_ =	sdelay $0x4  }
0xc5: {  	(v2sf) =	vpush v2, $0x0  }
0xc6: {  	(v2sf) =	vpush v2, $0x1;
	_ =	sdelay $0xd  }
0xc7: {  	s7 =	spop (v2sf)  }
0xc8: {  	s8 =	spop (v2sf)  }
0xc9: {  	s7 =	sand.u32 $0xFFFFFFF0, s7;
	s8 =	sadd.s32 $0x3E8, s8  }
0xca: {  	[tilespmem:s7+$0x0] =	vst v0;
	s8 =	sand.u32 $0xFFFFFFF0, s8  }
0xcb: {  	[tilespmem:s8+$0x0] =	vst v0  }
0xcc: {  	v2 =	vld [tilespmem:s5+$0x0];
	_ =	sdelay $0x4  }
0xcd: {  	(v2sf) =	vpush v2, $0x0;
	_ =	sdelay $0x5  }
0xce: {  	(v2sf) =	vpush v2, $0x1;
	_ =	sdelay $0x8  }
0xcf: {  	s7 =	spop (v2sf)  }
0xd0: {  	s8 =	sand.u32 $0xFFFFFFF0, s7  }
0xd1: {  	v2 =	vld [tilespmem:s8+$0x0];
	_ =	sdelay $0x1  }
0xd2: {  	s7 =	sand.u32 $0xF, s7  }
0xd3: {  	v3 =	vmov s7  }
0xd4: {  	s7 =	spop (v2sf);
	vm0 =	veq.s32 v3, v1  }
0xd5: {  	s7 =	sadd.s32 $0x3E8, s7;
	v2 =	vsel vm0, $0x3F800000, v2  }
0xd6: {  	[tilespmem:s8+$0x0] =	vst v2;
	s8 =	sand.u32 $0xFFFFFFF0, s7  }
0xd7: {  	v2 =	vld [tilespmem:s8+$0x0];
	_ =	sdelay $0x1  }
0xd8: {  	s7 =	sand.u32 $0xF, s7  }
0xd9: {  	v3 =	vmov s7  }
0xda: {  	vm13 =	veq.s32 v3, v1  }
0xdb: {  	s7 =	sshrl.u32 s14, $0x3;
	v2 =	vsel vm13, $0x3F800000, v2  }
0xdc: {  	s7 =	sadd.s32 s2, s7;
	[tilespmem:s8+$0x0] =	vst v2  }
0xdd: {  	[hbm4b:s7+s3] =	stream.linear.scatter [tilespmem:s3], [sflag:$0x1], $0x7D0, $0x38;
	[tilespmem:$0x4A80] =	vst v63  }
0xde: {  	_ =	swait.ge [sflag:s25], $0x7D0  }
0xdf: {  	[sflag:s25] =	ssyncset.done $0x0  }
0xe0: {  	[sflag:s25] =	ssyncadd.s32 $0xFFFFF830  }
0xe1: {  	v2 =	vld [tilespmem:s5+$0xFFFFFFF2];
	_ =	sdelay $0x4  }
0xe2: {  	(v2sf) =	vpush v2, $0x0  }
0xe3: {  	(v2sf) =	vpush v2, $0x1;
	_ =	sdelay $0xd  }
0xe4: {  	s7 =	spop (v2sf)  }
0xe5: {  	s8 =	spop (v2sf)  }
0xe6: {  	s7 =	sand.u32 $0xFFFFFFF0, s7;
	s8 =	sadd.s32 $0x3E8, s8  }
0xe7: {  	[tilespmem:s7+$0x800] =	vst v0;
	s8 =	sand.u32 $0xFFFFFFF0, s8  }
0xe8: {  	[tilespmem:s8+$0x800] =	vst v0  }
0xe9: {  	v2 =	vld [tilespmem:s5+$0x2];
	_ =	sdelay $0x4  }
0xea: {  	(v2sf) =	vpush v2, $0x0;
	_ =	sdelay $0x5  }
0xeb: {  	(v2sf) =	vpush v2, $0x1;
	_ =	sdelay $0x8  }
0xec: {  	s7 =	spop (v2sf)  }
0xed: {  	s8 =	sand.u32 $0xFFFFFFF0, s7  }
0xee: {  	v2 =	vld [tilespmem:s8+$0x800];
	_ =	sdelay $0x1  }
0xef: {  	s7 =	sand.u32 $0xF, s7  }
0xf0: {  	v3 =	vmov s7  }
0xf1: {  	s7 =	spop (v2sf);
	vm14 =	veq.s32 v3, v1  }
0xf2: {  	s7 =	sadd.s32 $0x3E8, s7;
	v2 =	vsel vm14, $0x3F800000, v2  }
0xf3: {  	[tilespmem:s8+$0x800] =	vst v2;
	s8 =	sand.u32 $0xFFFFFFF0, s7  }
0xf4: {  	v2 =	vld [tilespmem:s8+$0x800];
	_ =	sdelay $0x1  }
0xf5: {  	s7 =	sand.u32 $0xF, s7  }
0xf6: {  	v3 =	vmov s7  }
0xf7: {  	vm15 =	veq.s32 v3, v1  }
0xf8: {  	s7 =	rddreg [dreg:$0x3];
	v2 =	vsel vm15, $0x3F800000, v2  }
0xf9: {  	s7 =	sadd.s32 s15, s7;
	[tilespmem:s8+$0x800] =	vst v2  }
0xfa: {  	[hbm4b:s7+s3] =	stream.linear.scatter [tilespmem:s17], [sflag:$0x2], $0x7D0, $0x38;
	[tilespmem:$0x4A80] =	vst v63  }
0xfb: {  	_ =	swait.ge [sflag:s26], $0x7D0  }
0xfc: {  	[sflag:s26] =	ssyncset.done $0x0  }
0xfd: {  	[sflag:s26] =	ssyncadd.s32 $0xFFFFF830  }
0xfe: {  	v2 =	vld [tilespmem:s5+$0xFFFFFFF4];
	_ =	sdelay $0x4  }
0xff: {  	(v2sf) =	vpush v2, $0x0  }
0x100: {  	(v2sf) =	vpush v2, $0x1;
	_ =	sdelay $0xd  }
0x101: {  	s7 =	spop (v2sf)  }
0x102: {  	s8 =	spop (v2sf)  }
0x103: {  	s7 =	sand.u32 $0xFFFFFFF0, s7;
	s8 =	sadd.s32 $0x3E8, s8  }
0x104: {  	[tilespmem:s7+$0x1000] =	vst v0;
	s8 =	sand.u32 $0xFFFFFFF0, s8  }
0x105: {  	[tilespmem:s8+$0x1000] =	vst v0  }
0x106: {  	v2 =	vld [tilespmem:s5+$0x4];
	_ =	sdelay $0x4  }
0x107: {  	(v2sf) =	vpush v2, $0x0;
	_ =	sdelay $0x5  }
0x108: {  	(v2sf) =	vpush v2, $0x1;
	_ =	sdelay $0x8  }
0x109: {  	s7 =	spop (v2sf)  }
0x10a: {  	s8 =	sand.u32 $0xFFFFFFF0, s7  }
0x10b: {  	v2 =	vld [tilespmem:s8+$0x1000];
	_ =	sdelay $0x1  }
0x10c: {  	s7 =	sand.u32 $0xF, s7  }
0x10d: {  	v3 =	vmov s7  }
0x10e: {  	s7 =	spop (v2sf);
	vm4 =	veq.s32 v3, v1  }
0x10f: {  	s7 =	sadd.s32 $0x3E8, s7;
	v2 =	vsel vm4, $0x3F800000, v2  }
0x110: {  	[tilespmem:s8+$0x1000] =	vst v2;
	s8 =	sand.u32 $0xFFFFFFF0, s7  }
0x111: {  	v2 =	vld [tilespmem:s8+$0x1000];
	_ =	sdelay $0x1  }
0x112: {  	s7 =	sand.u32 $0xF, s7  }
0x113: {  	v3 =	vmov s7  }
0x114: {  	vm5 =	veq.s32 v3, v1  }
0x115: {  	s7 =	rddreg [dreg:$0x4];
	v2 =	vsel vm5, $0x3F800000, v2  }
0x116: {  	s7 =	sadd.s32 s15, s7;
	[tilespmem:s8+$0x1000] =	vst v2  }
0x117: {  	[hbm4b:s7+s3] =	stream.linear.scatter [tilespmem:s18], [sflag:$0x3], $0x7D0, $0x38;
	[tilespmem:$0x4A80] =	vst v63  }
0x118: {  	_ =	swait.ge [sflag:s28], $0x7D0  }
0x119: {  	[sflag:s28] =	ssyncset.done $0x0  }
0x11a: {  	[sflag:s28] =	ssyncadd.s32 $0xFFFFF830  }
0x11b: {  	v2 =	vld [tilespmem:s5+$0xFFFFFFF6];
	_ =	sdelay $0x4  }
0x11c: {  	(v2sf) =	vpush v2, $0x0  }
0x11d: {  	(v2sf) =	vpush v2, $0x1;
	_ =	sdelay $0xd  }
0x11e: {  	s7 =	spop (v2sf)  }
0x11f: {  	s8 =	spop (v2sf)  }
0x120: {  	s7 =	sand.u32 $0xFFFFFFF0, s7;
	s8 =	sadd.s32 $0x3E8, s8  }
0x121: {  	[tilespmem:s7+$0x1800] =	vst v0;
	s8 =	sand.u32 $0xFFFFFFF0, s8  }
0x122: {  	[tilespmem:s8+$0x1800] =	vst v0  }
0x123: {  	v2 =	vld [tilespmem:s5+$0x6];
	_ =	sdelay $0x4  }
0x124: {  	(v2sf) =	vpush v2, $0x0;
	_ =	sdelay $0x5  }
0x125: {  	(v2sf) =	vpush v2, $0x1;
	_ =	sdelay $0x8  }
0x126: {  	s7 =	spop (v2sf)  }
0x127: {  	s8 =	sand.u32 $0xFFFFFFF0, s7  }
0x128: {  	v2 =	vld [tilespmem:s8+$0x1800];
	_ =	sdelay $0x1  }
0x129: {  	s7 =	sand.u32 $0xF, s7  }
0x12a: {  	v3 =	vmov s7  }
0x12b: {  	s7 =	spop (v2sf);
	vm6 =	veq.s32 v3, v1  }
0x12c: {  	s7 =	sadd.s32 $0x3E8, s7;
	v2 =	vsel vm6, $0x3F800000, v2  }
0x12d: {  	[tilespmem:s8+$0x1800] =	vst v2;
	s8 =	sand.u32 $0xFFFFFFF0, s7  }
0x12e: {  	v2 =	vld [tilespmem:s8+$0x1800];
	_ =	sdelay $0x1  }
0x12f: {  	s7 =	sand.u32 $0xF, s7  }
0x130: {  	v3 =	vmov s7  }
0x131: {  	vm7 =	veq.s32 v3, v1  }
0x132: {  	s7 =	rddreg [dreg:$0x5];
	v2 =	vsel vm7, $0x3F800000, v2  }
0x133: {  	s7 =	sadd.s32 s15, s7;
	[tilespmem:s8+$0x1800] =	vst v2  }
0x134: {  	[hbm4b:s7+s3] =	stream.linear.scatter [tilespmem:s19], [sflag:$0x4], $0x7D0, $0x38;
	[tilespmem:$0x4A80] =	vst v63  }
0x135: {  	_ =	swait.ge [sflag:s29], $0x7D0  }
0x136: {  	[sflag:s29] =	ssyncset.done $0x0  }
0x137: {  	[sflag:s29] =	ssyncadd.s32 $0xFFFFF830  }
0x138: {  	v2 =	vld [tilespmem:s5+$0xFFFFFFF8];
	_ =	sdelay $0x4  }
0x139: {  	(v2sf) =	vpush v2, $0x0  }
0x13a: {  	(v2sf) =	vpush v2, $0x1;
	_ =	sdelay $0xd  }
0x13b: {  	s7 =	spop (v2sf)  }
0x13c: {  	s8 =	spop (v2sf)  }
0x13d: {  	s7 =	sand.u32 $0xFFFFFFF0, s7;
	s8 =	sadd.s32 $0x3E8, s8  }
0x13e: {  	[tilespmem:s7+$0x2000] =	vst v0;
	s8 =	sand.u32 $0xFFFFFFF0, s8  }
0x13f: {  	[tilespmem:s8+$0x2000] =	vst v0  }
0x140: {  	v2 =	vld [tilespmem:s5+$0x8];
	_ =	sdelay $0x4  }
0x141: {  	(v2sf) =	vpush v2, $0x0;
	_ =	sdelay $0x5  }
0x142: {  	(v2sf) =	vpush v2, $0x1;
	_ =	sdelay $0x8  }
0x143: {  	s7 =	spop (v2sf)  }
0x144: {  	s8 =	sand.u32 $0xFFFFFFF0, s7  }
0x145: {  	v2 =	vld [tilespmem:s8+$0x2000];
	_ =	sdelay $0x1  }
0x146: {  	s7 =	sand.u32 $0xF, s7  }
0x147: {  	v3 =	vmov s7  }
0x148: {  	s7 =	spop (v2sf);
	vm8 =	veq.s32 v3, v1  }
0x149: {  	s7 =	sadd.s32 $0x3E8, s7;
	v2 =	vsel vm8, $0x3F800000, v2  }
0x14a: {  	[tilespmem:s8+$0x2000] =	vst v2;
	s8 =	sand.u32 $0xFFFFFFF0, s7  }
0x14b: {  	v2 =	vld [tilespmem:s8+$0x2000];
	_ =	sdelay $0x1  }
0x14c: {  	s7 =	sand.u32 $0xF, s7  }
0x14d: {  	v3 =	vmov s7  }
0x14e: {  	vm9 =	veq.s32 v3, v1  }
0x14f: {  	s7 =	rddreg [dreg:$0x6];
	v2 =	vsel vm9, $0x3F800000, v2  }
0x150: {  	s7 =	sadd.s32 s15, s7;
	[tilespmem:s8+$0x2000] =	vst v2  }
0x151: {  	[hbm4b:s7+s3] =	stream.linear.scatter [tilespmem:s20], [sflag:$0x5], $0x7D0, $0x38;
	[tilespmem:$0x4A80] =	vst v63  }
0x152: {  	_ =	swait.ge [sflag:s30], $0x7D0  }
0x153: {  	[sflag:s30] =	ssyncset.done $0x0  }
0x154: {  	[sflag:s30] =	ssyncadd.s32 $0xFFFFF830  }
0x155: {  	v2 =	vld [tilespmem:s5+$0xFFFFFFFA];
	_ =	sdelay $0x4  }
0x156: {  	(v2sf) =	vpush v2, $0x0  }
0x157: {  	(v2sf) =	vpush v2, $0x1;
	_ =	sdelay $0xd  }
0x158: {  	s7 =	spop (v2sf)  }
0x159: {  	s8 =	spop (v2sf)  }
0x15a: {  	s7 =	sand.u32 $0xFFFFFFF0, s7;
	s8 =	sadd.s32 $0x3E8, s8  }
0x15b: {  	[tilespmem:s7+$0x2800] =	vst v0;
	s8 =	sand.u32 $0xFFFFFFF0, s8  }
0x15c: {  	[tilespmem:s8+$0x2800] =	vst v0  }
0x15d: {  	v2 =	vld [tilespmem:s5+$0xA];
	_ =	sdelay $0x4  }
0x15e: {  	(v2sf) =	vpush v2, $0x0;
	_ =	sdelay $0x5  }
0x15f: {  	(v2sf) =	vpush v2, $0x1;
	_ =	sdelay $0x8  }
0x160: {  	s7 =	spop (v2sf)  }
0x161: {  	s8 =	sand.u32 $0xFFFFFFF0, s7  }
0x162: {  	v2 =	vld [tilespmem:s8+$0x2800];
	_ =	sdelay $0x1  }
0x163: {  	s7 =	sand.u32 $0xF, s7  }
0x164: {  	v3 =	vmov s7  }
0x165: {  	s7 =	spop (v2sf);
	vm10 =	veq.s32 v3, v1  }
0x166: {  	s7 =	sadd.s32 $0x3E8, s7;
	v2 =	vsel vm10, $0x3F800000, v2  }
0x167: {  	[tilespmem:s8+$0x2800] =	vst v2;
	s8 =	sand.u32 $0xFFFFFFF0, s7  }
0x168: {  	v2 =	vld [tilespmem:s8+$0x2800];
	_ =	sdelay $0x1  }
0x169: {  	s7 =	sand.u32 $0xF, s7  }
0x16a: {  	v3 =	vmov s7  }
0x16b: {  	vm11 =	veq.s32 v3, v1  }
0x16c: {  	s7 =	rddreg [dreg:$0x7];
	v2 =	vsel vm11, $0x3F800000, v2  }
0x16d: {  	s7 =	sadd.s32 s15, s7;
	[tilespmem:s8+$0x2800] =	vst v2  }
0x16e: {  	[hbm4b:s7+s3] =	stream.linear.scatter [tilespmem:s21], [sflag:$0x6], $0x7D0, $0x38;
	[tilespmem:$0x4A80] =	vst v63  }
0x16f: {  	_ =	swait.ge [sflag:s31], $0x7D0  }
0x170: {  	[sflag:s31] =	ssyncset.done $0x0  }
0x171: {  	[sflag:s31] =	ssyncadd.s32 $0xFFFFF830  }
0x172: {  	v2 =	vld [tilespmem:s5+$0xFFFFFFFC];
	_ =	sdelay $0x4  }
0x173: {  	(v2sf) =	vpush v2, $0x0  }
0x174: {  	(v2sf) =	vpush v2, $0x1;
	_ =	sdelay $0xd  }
0x175: {  	s7 =	spop (v2sf)  }
0x176: {  	s8 =	spop (v2sf)  }
0x177: {  	s7 =	sand.u32 $0xFFFFFFF0, s7;
	s8 =	sadd.s32 $0x3E8, s8  }
0x178: {  	[tilespmem:s7+$0x3000] =	vst v0;
	s8 =	sand.u32 $0xFFFFFFF0, s8  }
0x179: {  	[tilespmem:s8+$0x3000] =	vst v0  }
0x17a: {  	v2 =	vld [tilespmem:s5+$0xC];
	_ =	sdelay $0x4  }
0x17b: {  	(v2sf) =	vpush v2, $0x0;
	_ =	sdelay $0x5  }
0x17c: {  	(v2sf) =	vpush v2, $0x1;
	_ =	sdelay $0x8  }
0x17d: {  	s7 =	spop (v2sf)  }
0x17e: {  	s8 =	sand.u32 $0xFFFFFFF0, s7  }
0x17f: {  	v2 =	vld [tilespmem:s8+$0x3000];
	_ =	sdelay $0x1  }
0x180: {  	s7 =	sand.u32 $0xF, s7  }
0x181: {  	v3 =	vmov s7  }
0x182: {  	s7 =	spop (v2sf);
	vm12 =	veq.s32 v3, v1  }
0x183: {  	s7 =	sadd.s32 $0x3E8, s7;
	v2 =	vsel vm12, $0x3F800000, v2  }
0x184: {  	[tilespmem:s8+$0x3000] =	vst v2;
	s8 =	sand.u32 $0xFFFFFFF0, s7  }
0x185: {  	v2 =	vld [tilespmem:s8+$0x3000];
	_ =	sdelay $0x1  }
0x186: {  	s7 =	sand.u32 $0xF, s7  }
0x187: {  	v3 =	vmov s7  }
0x188: {  	vm13 =	veq.s32 v3, v1  }
0x189: {  	s7 =	rddreg [dreg:$0x8];
	v2 =	vsel vm13, $0x3F800000, v2  }
0x18a: {  	s7 =	sadd.s32 s15, s7;
	[tilespmem:s8+$0x3000] =	vst v2  }
0x18b: {  	[hbm4b:s7+s3] =	stream.linear.scatter [tilespmem:s22], [sflag:$0x7], $0x7D0, $0x38;
	[tilespmem:$0x4A80] =	vst v63  }
0x18c: {  	_ =	swait.ge [sflag:s1], $0x7D0  }
0x18d: {  	[sflag:s1] =	ssyncset.done $0x0  }
0x18e: {  	[sflag:s1] =	ssyncadd.s32 $0xFFFFF830  }
0x18f: {  	v2 =	vld [tilespmem:s5+$0xFFFFFFFE];
	_ =	sdelay $0x4  }
0x190: {  	(v2sf) =	vpush v2, $0x0  }
0x191: {  	(v2sf) =	vpush v2, $0x1;
	_ =	sdelay $0xd  }
0x192: {  	s7 =	spop (v2sf)  }
0x193: {  	s8 =	spop (v2sf)  }
0x194: {  	s7 =	sand.u32 $0xFFFFFFF0, s7;
	s8 =	sadd.s32 $0x3E8, s8  }
0x195: {  	[tilespmem:s7+$0x3800] =	vst v0;
	s8 =	sand.u32 $0xFFFFFFF0, s8  }
0x196: {  	[tilespmem:s8+$0x3800] =	vst v0  }
0x197: {  	v2 =	vld [tilespmem:s5+$0xE];
	_ =	sdelay $0x4  }
0x198: {  	(v2sf) =	vpush v2, $0x0;
	_ =	sdelay $0x5  }
0x199: {  	(v2sf) =	vpush v2, $0x1;
	_ =	sdelay $0x8  }
0x19a: {  	s7 =	spop (v2sf)  }
0x19b: {  	s8 =	sand.u32 $0xFFFFFFF0, s7  }
0x19c: {  	v2 =	vld [tilespmem:s8+$0x3800];
	_ =	sdelay $0x1  }
0x19d: {  	s7 =	sand.u32 $0xF, s7  }
0x19e: {  	v3 =	vmov s7  }
0x19f: {  	s7 =	spop (v2sf);
	vm14 =	veq.s32 v3, v1  }
0x1a0: {  	s7 =	sadd.s32 $0x3E8, s7;
	v2 =	vsel vm14, $0x3F800000, v2  }
0x1a1: {  	[tilespmem:s8+$0x3800] =	vst v2;
	s8 =	sand.u32 $0xFFFFFFF0, s7  }
0x1a2: {  	v2 =	vld [tilespmem:s8+$0x3800];
	_ =	sdelay $0x1  }
0x1a3: {  	p0 =	sne.s32 s15, $0x4D260;
	s7 =	sand.u32 $0xF, s7  }
.Ltmp1:
0x1a4: {  	v3 =	vmov s7;
	(pc) =	sbr.rel @p0 .LBB2_4-.Ltmp1, $4  }
0x1a5: {  	vm15 =	veq.s32 v3, v1  }
0x1a6: {  	s14 =	sadd.s32 $0x3E80, s14;
	s7 =	rddreg [dreg:$0x9];
	v2 =	vsel vm15, $0x3F800000, v2  }
0x1a7: {  	s5 =	sadd.s32 $0x10, s5;
	s7 =	sadd.s32 s15, s7;
	s15 =	sadd.s32 $0x7D0, s15;
	[tilespmem:s8+$0x3800] =	vst v2  }
0x1a8: {  	[hbm4b:s7+s3] =	stream.linear.scatter [tilespmem:s23], [sflag:$0x8], $0x7D0, $0x38;
	[tilespmem:$0x4A80] =	vst v63  }
0x1a9: {  	_ =	swait.ge [sflag:s24], $0x7D0  }
0x1aa: {  	[sflag:s24] =	ssyncset.done $0x0  }
0x1ab: {  	[sflag:s24] =	ssyncadd.s32 $0xFFFFF830  }
0x1ac: {  	_ =	swait.ge [sflag:s25], $0x7D0  }
0x1ad: {  	[sflag:s25] =	ssyncset.done $0x0  }
0x1ae: {  	[sflag:s25] =	ssyncadd.s32 $0xFFFFF830  }
0x1af: {  	_ =	swait.ge [sflag:s26], $0x7D0  }
0x1b0: {  	[sflag:s26] =	ssyncset.done $0x0  }
0x1b1: {  	[sflag:s26] =	ssyncadd.s32 $0xFFFFF830  }
0x1b2: {  	_ =	swait.ge [sflag:s28], $0x7D0  }
0x1b3: {  	[sflag:s28] =	ssyncset.done $0x0  }
0x1b4: {  	[sflag:s28] =	ssyncadd.s32 $0xFFFFF830  }
0x1b5: {  	_ =	swait.ge [sflag:s29], $0x7D0  }
0x1b6: {  	[sflag:s29] =	ssyncset.done $0x0  }
0x1b7: {  	[sflag:s29] =	ssyncadd.s32 $0xFFFFF830  }
0x1b8: {  	_ =	swait.ge [sflag:s30], $0x7D0  }
0x1b9: {  	[sflag:s30] =	ssyncset.done $0x0  }
0x1ba: {  	s0 =	sadd.s32 $0x1, s0;
	[sflag:s30] =	ssyncadd.s32 $0xFFFFF830  }
0x1bb: {  	p0 =	sne.s32 s0, s13;
	_ =	swait.ge [sflag:s31], $0x7D0  }
.Ltmp2:
0x1bc: {  	[sflag:s31] =	ssyncset.done $0x0;
	(pc) =	sbr.rel @p0 .LBB2_1-.Ltmp2, $4  }
0x1bd: {  	[sflag:s31] =	ssyncadd.s32 $0xFFFFF830  }
0x1be: {  	_ =	swait.ge [sflag:s1], $0x7D0  }
0x1bf: {  	[sflag:s1] =	ssyncset.done $0x0  }
0x1c0: {  	[sflag:s1] =	ssyncadd.s32 $0xFFFFF830  }
0x1c1: {  	_ =	sfence.sel $0x180000  }
0x1c2: {  	[bflag:$0x0] =	sbarrier.arrive $0xFFFF  }
0x1c3: {  	_ =	strace $0x90000047  }
0x1c4: {  	s0 =	stileid.u32;
	[bflag:$0x2] =	sbarrier.arrive $0xFFFF  }
0x1c5: {  	p0 =	sne.s32 s0, $0x0;
	s0 =	rddreg [dreg:$0x2]  }
0x1c6: {  	s0 =	sadd.s32 @!p0 $0x100000, s0  }
0x1c7: {  	[sflag:s0] =	ssyncadd.tile.s32 @!p0 $0x1;
	_ =	shalt  }
.Lfunc_end2:
_tile_overlayer_lowered:
.L_overlay_start_2:
0x1c8: {  	(tag) =	ssettag $0x2  }
0x1c9: {  	s0 =	rddreg [dreg:$0x0];
	s2 =	stileid.u32  }
0x1ca: {  	s1 =	rddreg [dreg:$0x1];
	p0 =	sne.s32 s2, $0x0  }
0x1cb: {  	s3 =	rddreg [dreg:$0x2];
	[bflag:$0x3] =	sbarrier.arrive $0xFFFF;
	s2 =	simm.s32 @!p0 $0x1C09  }
0x1cc: {  	[timem:s3], [sflag:s2] =	dma.local @!p0 [hbm:s0], s1  }
0x1cd: {  	s0 =	simm.s32 @!p0 $0x9  }
0x1ce: {  	_ =	swait.ge @!p0 [sflag:s0], s1  }
0x1cf: {  	s1 =	ssub.s32 @!p0 $0x0, s1;
	[sflag:s0] =	ssyncset.done @!p0 $0x0  }
0x1d0: {  	[sflag:s0] =	ssyncadd.s32 @!p0 s1  }
0x1d1: {  	[bflag:$0x3] =	sbarrier.arrive $0xFFFF  }
0x1d2: {  	_ =	shalt  }

// kernel: sparse-core-data-format-call.cloned.1.call-start
scs
called_computation_lowered:
.L_overlay_start_0:
0x0: {  	s2 =	sld [smem:$0x3FD9]  }
0x1: {  	s3 =	sld [smem:$0x3FFE];
	_ =	sdelay $0x1  }
0x2: {  	s1 =	srdreg.scid  }
0x3: {  	s0 =	sand.u32 $0x1, s1  }
0x4: {  	s18 =	sshll.u32 s0, $0xA;
	s2 =	sadd.s32 s3, s2  }
0x5: {  	s2 =	sadd.s32 s2, s18  }
0x6: {  	[smem:$0x3FC7] =	sst s2  }
0x7: {  	_ = 	snop  }
0x8: {  	s2 =	sld [smem:$0x3FD0];
	(tm) =	ssettm $0x1  }
0x9: {  	s19 =	sld [smem:$0x3FFB];
	_ =	sdelay $0x3  }
0xa: {  	_ =	strace s19  }
0xb: {  	s3 =	sld [smem:$0x3FFC];
	_ =	sdelay $0x3  }
0xc: {  	_ =	strace s3  }
0xd: {  	s3 =	sld [smem:$0x3FFD];
	_ =	sdelay $0x3  }
0xe: {  	_ =	strace s3  }
0xf: {  	_ =	strace $0x8FFFFFFF  }
0x10: {  	s20 =	sld [smem:$0x3FDB];
	_ =	sdelay $0x1  }
0x11: {  	s4 =	simm.s32 $_scs_section_size  }
0x12: {  	s5 =	simm.s32 $_size__tile_overlayer_lowered;
	s6 =	simm.s32 $_tile_overlayer_lowered  }
0x13: {  	s23 =	simm.s32 $0x1BFF;
	s22 =	sshll.u32 s6, $0x1;
	s3 =	sadd.s32 s4, s20  }
0x14: {  	s7 =	simm.s32 $0x0;
	s21 =	sshll.u32 s5, $0x1;
	s5 =	sadd.s32 s22, s3  }
0x15: {  	[timem:s7], [sflag:s23] =	dma.local [hbm:s5], s21  }
0x16: {  	_ =	swait.ge [sflag:s23], s21  }
0x17: {  	s4 =	ssub.s32 $0x0, s21;
	[sflag:s23] =	ssyncset.done $0x0  }
0x18: {  	[sflag:s23] =	ssyncadd.s32 s4;
	_ =	sdelay $0x1  }
0x19: {  	s24 =	simm.s32 $0x1B8B  }
0x1a: {  	_ =	swait.ge [sflag:s24], $0x1  }
0x1b: {  	[sflag:s24] =	ssyncset.done $0x0  }
0x1c: {  	s26 =	simm.s32 $0x1B8E;
	s25 =	sld [smem:$0x3FFE];
	[sflag:s24] =	ssyncadd.s32 $0xFFFFFFFF  }
0x1d: {  	s27 =	simm.s32 $execute0_lowered;
	[smem:$0x3FD2] =	sst s26  }
0x1e: {  	s5 =	sshll.u32 s27, $0x1;
	_ =	strace $0x80000049;
	[dreg:$0x1] =	wrdreg $0xFFFFFFFF  }
0x1f: {  	s28 =	simm.s32 $_size_execute0_lowered;
	s3 =	sadd.s32 s3, s5;
	[dreg:$0x0] =	wrdreg $0x0  }
0x20: {  	s5 =	sshll.u32 s28, $0x1;
	[dreg:$0x2] =	wrdreg s3  }
0x21: {  	[dreg:$0x3] =	wrdreg s5  }
0x22: {  	[dreg:$0x4] =	wrdreg $0xC0  }
0x23: {  	_ =	task [dreg:s7], $0x5FFFF  }
0x24: {  	[dreg:$0x1] =	wrdreg $0xFFFFFFFF  }
0x25: {  	[dreg:$0x0] =	wrdreg $0x60  }
0x26: {  	[dreg:$0x2] =	wrdreg s25  }
0x27: {  	[dreg:$0x3] =	wrdreg s2  }
0x28: {  	[dreg:$0x4] =	wrdreg $0x9  }
0x29: {  	_ =	task.clear_ibuf [dreg:s7], $0x5FFFF;
	_ =	strace $0x90000049  }
0x2a: {  	s29 =	simm.s32 $0x9;
	_ =	strace $0x8000004B  }
0x2b: {  	_ =	swait.ge [sflag:s29], $0x1  }
0x2c: {  	[sflag:s29] =	ssyncadd.s32 $0xFFFFFFFF  }
0x2d: {  	_ =	strace $0x9000004B  }
0x2e: {  	_ =	sfence  }
0x2f: {  	s30 =	sld [smem:$0x0];
	_ =	sdelay $0x2  }
0x30: {  	s31 =	sshll.u32 s1, $0xD;
	s1 =	sshrl.u32 s1, $0x2  }
0x31: {  	s3 =	sand.u32 $0x4000, s31;
	s1 =	sadd.s32 s1, s30  }
0x32: {  	s0 =	sor.u32 s3, s0;
	s1 =	sshll.u32 s1, $0x11  }
0x33: {  	s0 =	sor.u32 s1, s0  }
0x34: {  	s0 =	sadd.s32 $0x8F2B, s0  }
0x35: {  	[sflag:s0] =	ssyncadd.remote.s32 $0x1  }
0x36: {  	_ =	sfence.sel $0xFFFF  }
0x37: {  	[dreg:$0x0] =	wrdreg $0xFFFFFFFF;
	(pc) =	sbr.abs _section_cstart, $3  }
0x38: {  	[dreg:$0x1] =	wrdreg $0xFFFFFFFF  }
0x39: {  	_ =	task.clear_ibuf [dreg:s7], $0x2FFFF;
	_ =	strace $0x9FFFFFFF  }
0x3a: {  	(tm) =	ssettm $0x7FFFFFFF  }
0x3b: {  	_ =	shalt  }
tec
execute0_lowered:
.L_overlay_start_1:
0x0: {  	(tag) =	ssettag $0x1  }
0x1: {  	s0 =	srdreg.scid;
	s6 =	rddreg [dreg:$0x0]  }
0x2: {  	s3 =	rddreg [dreg:$0x1];
	s1 =	sshll.u32 s0, $0x4  }
0x3: {  	s5 =	simm.s32 $0x1;
	s0 =	stileid.u32;
	s1 =	sand.u32 $0x10, s1  }
0x4: {  	s31 =	simm.s32 $0x2;
	s16 =	simm.s32 $0x0;
	s1 =	sor.u32 s0, s1  }
0x5: {  	s8 =	simm.s32 $0x8000;
	s18 =	simm.s32 $0x0;
	s2 =	sshll.u32 s1, $0x7  }
0x6: {  	s17 =	simm.s32 $0x0;
	s9 =	simm.s32 $0x0;
	s4 =	ssub.s32 $0x1000, s2  }
0x7: {  	s10 =	simm.s32 $0x0;
	s11 =	simm.s32 $0x0;
	s30 =	sand.u32 $0xF80, s4  }
0x8: {  	s12 =	simm.s32 $0x0;
	s13 =	simm.s32 $0x0;
	p0 =	sne.s32 s30, $0x0  }
.Ltmp0:
0x9: {  	s7 =	sshrl.u32 s4, $0xC;
	s5 =	simm.s32 @!p0 $0x0;
	(pc) =	sbr.rel .LBB1_1-.Ltmp0, $4  }
0xa: {  	s15 =	simm.s32 $0x0;
	s1 =	rddreg [dreg:$0x2];
	s5 =	sadd.s32 s5, s7  }
0xb: {  	_ =	strace $0x8000004A;
	s4 =	simm.s32 $0x1;
	s5 =	smul.u32 $0xA0, s5  }
0xc: {  	s6 =	sadd.s32 $0x800, s6;
	s14 =	smov.u32 s2;
	[sflag:s4] =	ssyncpa.u1 $0x0  }
0xd: {  	[sflag:s31] =	ssyncpa.u1 $0x0;
	p0 =	por $0x0, $0x0;
	s7 =	sor.u32 $0x1, s5  }
.LBB1_4:
0xe: {  	s23 =	sshra.s32 s23, $0x2;
	s30 =	sshll.u32 s9, $0xC  }
0xf: {  	p1 =	sgt.s32 s10, $0x13;
	s24 =	smov.u32 s10;
	s25 =	sshra.s32 s10, $0x1F  }
0x10: {  	s26 =	sshll.u32 s11, $0x3;
	s28 =	smov.u32 s11;
	s29 =	sshra.s32 s11, $0x1F  }
0x11: {  	s22 =	sadd.s32 s23, s22;
	s24 =	simm.s32 @!p1 $0x13;
	s25 =	sand.u32 s25, s10  }
0x12: {  	s23 =	sand.u32 $0xFFFF8000, s30;
	s27 =	sand.u32 $0xFFFFFC00, s26;
	p1 =	sgt.s32 s9, $0x368  }
0x13: {  	s31 =	sand.u32 s29, s11;
	s29 =	sshll.u32 s9, $0x7;
	s30 =	sshra.s32 s9, $0x1F  }
0x14: {  	[tilespmem:s21+$0x2040 ss:$0x81] =	vst.msk $0xffff, v4;
	s24 =	ssub.s32 s24, s25;
	s23 =	sadd.s32 s27, s23;
	s27 =	smov.u32 s9  }
0x15: {  	[tilespmem:s21+$0x2850 ss:$0x81] =	vst.msk $0xffff, v3;
	s29 =	sand.u32 $0x380, s29;
	s25 =	sadd.s32 $0xFFFFFFED, s24;
	s27 =	simm.s32 @!p1 $0x368  }
0x16: {  	v5 =	vld [tilespmem:s20+$0xFFFFFFD0];
	[tilespmem:s21+$0x3060 ss:$0x81] =	vst.msk $0xffff, v2;
	p1 =	sgt.s32 s11, $0xF80;
	s23 =	sshrl.u32 s23, $0xC;
	s24 =	ssub.s32 $0x14, s24  }
0x17: {  	v58 =	vld [tilespmem:s20+$0xFFFFFFE0];
	[tilespmem:s21+$0x0 ss:$0x81] =	vst.msk $0xffff, v1;
	s28 =	simm.s32 @!p1 $0xF80;
	p1 =	sgt.s32 s25, $0x0;
	s21 =	smulhi.u32 $0x418938, s23  }
0x18: {  	v59 =	vld [tilespmem:s20+$0xFFFFFFF0];
	s25 =	ssub.s32 s28, s31;
	s28 =	sand.u32 s30, s9;
	s24 =	simm.s32 @p1 $0x0  }
0x19: {  	v60 =	vld [tilespmem:s20+$0x0];
	s27 =	ssub.s32 s27, s28;
	s31 =	sadd.s32 $0xFFFFF080, s25;
	s25 =	ssub.s32 $0x1000, s25  }
0x1a: {  	v61 =	vld [tilespmem:s20+$0x10];
	[tilespmem:s22+$0x3870 ss:$0x81] =	vst.msk $0xffff, v0;
	s21 =	smul.u32 $0x3E8, s21;
	s28 =	sand.u32 $0x7, s11;
	p1 =	sgt.s32 s31, $0x7F  }
0x1b: {  	v62 =	vld [tilespmem:s20+$0x20];
	[tilespmem:s22+$0x810 ss:$0x81] =	vst.msk $0xffff, v5;
	s30 =	sadd.s32 $0xFFFFFC98, s27;
	s31 =	sand.u32 $0x78, s11;
	s25 =	simm.s32 @p1 $0x0  }
0x1c: {  	v63 =	vld [tilespmem:s20+$0xFFFFFFC0];
	[tilespmem:s22+$0x1020 ss:$0x81] =	vst.msk $0xffff, v58;
	p1 =	sgt.s32 s30, $0x7F;
	s30 =	sand.u32 $0xC00, s26;
	s24 =	smul.u32 s25, s24  }
0x1d: {  	[tilespmem:s22+$0x1830 ss:$0x81] =	vst.msk $0xffff, v59;
	s26 =	ssub.s32 $0x3E8, s27;
	s20 =	sor.u32 s31, s30;
	s31 =	smul.u32 $0x7D000, s10  }
0x1e: {  	[tilespmem:s22+$0x2040 ss:$0x81] =	vst.msk $0xffff, v60;
	s21 =	ssub.s32 s23, s21;
	s26 =	simm.s32 @p1 $0x0;
	s20 =	sor.u32 s29, s20  }
0x1f: {  	[tilespmem:s22+$0x2850 ss:$0x81] =	vst.msk $0xffff, v61;
	s26 =	smul.u32 s26, s24;
	s20 =	sshrl.u32 s20, $0x3;
	s27 =	sadd.s32 s3, s31  }
0x20: {  	[tilespmem:s22+$0x3060 ss:$0x81] =	vst.msk $0xffff, v62;
	s21 =	sshll.u32 s21, $0x9;
	s29 =	sshll.u32 s28, $0x12;
	s20 =	sadd.s32 s20, s27  }
0x21: {  	[tilespmem:s22+$0x0 ss:$0x81] =	vst.msk $0xffff, v63;
	s31 =	sor.u32 $0x400, s29;
	s30 =	sand.u32 $0x3FFFFFFF, s26;
	s20 =	sadd.s32 s21, s20  }
0x22: {  	[hbm4b:s20+s31] =	stream.strided.scatter [tilespmem:s19], [sflag:$0x2], s30, s8, s31, $0x20;
	[tilespmem:$0x10100] =	vst v63  }
.LBB1_5:
0x23: {  	p1 =	slt.u32 s15, $0x2  }
0x24: {  	p2 =	sgt.s32 @!p1 s18, $0x13  }
0x25: {  	s19 =	smov.u32 s18;
	s20 =	sshra.s32 @!p1 s18, $0x1F;
	p2 =	por !p2, p1  }
0x26: {  	s18 =	sand.u32 @!p1 s20, s18;
	s19 =	simm.s32 @p2 $0x13  }
0x27: {  	p3 =	sgt.s32 @!p1 s16, $0x368;
	s18 =	ssub.s32 @!p1 s19, s18  }
0x28: {  	p4 =	sgt.s32 @!p1 s17, $0xF80;
	s21 =	sshra.s32 @!p1 s17, $0x1F;
	s19 =	sadd.s32 @!p1 $0xFFFFFFED, s18  }
0x29: {  	s20 =	smov.u32 s16;
	p2 =	sgt.s32 @!p1 s19, $0x0;
	s19 =	sshra.s32 @!p1 s16, $0x1F  }
0x2a: {  	p4 =	por !p4, p1;
	s16 =	sand.u32 @!p1 s19, s16;
	s19 =	smov.u32 s17  }
0x2b: {  	p3 =	por !p3, p1;
	s17 =	sand.u32 @!p1 s21, s17;
	s19 =	simm.s32 @p4 $0xF80  }
0x2c: {  	s20 =	simm.s32 @p3 $0x368;
	s18 =	ssub.s32 @!p1 $0x14, s18;
	s17 =	ssub.s32 @!p1 s19, s17  }
0x2d: {  	p2 =	por !p2, p1;
	s16 =	ssub.s32 @!p1 s20, s16;
	s20 =	sadd.s32 @!p1 $0xFFFFF080, s17  }
0x2e: {  	s18 =	simm.s32 @!p2 $0x0;
	p3 =	sgt.s32 @!p1 s20, $0x7F  }
0x2f: {  	s19 =	sadd.s32 @!p1 $0xFFFFFC98, s16;
	s17 =	ssub.s32 @!p1 $0x1000, s17;
	p3 =	por !p3, p1  }
0x30: {  	p2 =	sgt.s32 @!p1 s19, $0x7F;
	s19 =	sadd.s32 $0x80, s12;
	s17 =	simm.s32 @!p3 $0x0  }
0x31: {  	p3 =	sgt.s32 s19, $0x3E7;
	s17 =	smul.u32 @!p1 s17, s18;
	s18 =	simm.s32 $0x1  }
0x32: {  	s16 =	ssub.s32 @!p1 $0x3E8, s16;
	p2 =	por !p2, p1;
	s18 =	simm.s32 @!p3 $0x0  }
0x33: {  	s21 =	smov.u32 s14;
	s16 =	simm.s32 @!p2 $0x0;
	s20 =	sadd.s32 s18, s13  }
0x34: {  	s16 =	smul.u32 @!p1 s16, s17;
	s17 =	sadd.s32 $0x1000, s14;
	p2 =	sgt.s32 s20, $0x13  }
0x35: {  	p0 =	por !p0, !p0;
	s22 =	simm.s32 @!p1 $0x2;
	s21 =	smov.u32 @p2 s17  }
0x36: {  	s19 =	simm.s32 @p3 $0x0;
	s20 =	simm.s32 @p2 $0x0;
	p2 =	sgt.s32 s21, $0xFFF  }
0x37: {  	s18 =	smov.u32 s10;
	s21 =	smov.u32 @p2 s2;
	p2 =	sne.s32 s15, s7  }
.Ltmp1:
0x38: {  	s10 =	smov.u32 s13;
	s16 =	sand.u32 @!p1 $0x3FFFFFFF, s16;
	(pc) =	sbr.rel @!p2 .LBB1_6-.Ltmp1, $4  }
0x39: {  	s17 =	smov.u32 s11;
	s11 =	smov.u32 s14;
	_ =	swait.ge @!p1 [sflag:s22], s16  }
0x3a: {  	s23 =	ssub.s32 @!p1 $0x0, s16;
	s16 =	smov.u32 s9;
	s9 =	smov.u32 s12  }
0x3b: {  	s12 =	smov.u32 s19;
	s13 =	smov.u32 s20;
	[sflag:s22] =	ssyncset.done @!p1 $0x0  }
0x3c: {  	s15 =	sadd.s32 $0x1, s15;
	[sflag:s22] =	ssyncadd.s32 @!p1 s23;
	s14 =	smov.u32 s21  }
.LBB1_1:
0x3d: {  	p1 =	sge.u32 s15, s5  }
0x3e: {  	s19 =	sshll.u32 @!p1 s13, $0xA  }
0x3f: {  	s20 =	sshll.u32 @!p1 s12, $0x3;
	s19 =	sand.u32 @!p1 $0xFFFFE000, s19  }
0x40: {  	s19 =	sadd.s32 @!p1 s19, s20  }
0x41: {  	s19 =	sshrl.u32 @!p1 s19, $0xA  }
0x42: {  	s20 =	smulhi.u32 @!p1 $0xAAAAAAB, s19  }
0x43: {  	s21 =	sshll.u32 @!p1 s13, $0x7;
	s23 =	smul.u32 @!p1 $0xC00, s14  }
0x44: {  	s22 =	sand.u32 @!p1 $0x78, s12;
	s21 =	sand.u32 @!p1 $0x380, s21;
	s20 =	smul.u32 @!p1 $0x18, s20  }
0x45: {  	s31 =	sadd.s32 $0xFFFFFFFF, s15;
	s21 =	sor.u32 @!p1 s22, s21;
	s22 =	sadd.s32 @!p1 s6, s23  }
0x46: {  	s21 =	sshrl.u32 @!p1 s21, $0x3;
	s19 =	ssub.s32 @!p1 s19, s20;
	s20 =	sxor.u32 @!p1 $0xFFFFFFFF, s15  }
0x47: {  	s21 =	sadd.s32 @!p1 s21, s22;
	s22 =	sand.u32 @!p1 $0x7, s12;
	s20 =	sshll.u32 @!p1 s20, $0xE  }
0x48: {  	s22 =	sshll.u32 @!p1 s22, $0x12;
	s19 =	sshll.u32 @!p1 s19, $0x7;
	s20 =	sand.u32 @!p1 $0x4000, s20  }
0x49: {  	s19 =	sadd.s32 @!p1 s19, s21;
	s21 =	sor.u32 @!p1 $0x80, s22;
	s22 =	simm.s32 @!p1 $0x6000  }
0x4a: {  	[tilespmem:s20], [sflag:$0x1] =	stream.strided.gather @!p1 [hbm4b:s19+s21], $0x4000, s22, s21, $0x38;
	[tilespmem:$0x10100] =	vst v63  }
0x4b: {  	p1 =	sge.u32 s31, s5  }
.Ltmp2:
0x4c: {  	_ = 	snop;
	(pc) =	sbr.rel @p1 .LBB1_5-.Ltmp2, $1  }
0x4d: {  	_ =	sdelay $0x3  }
0x4e: {  	s19 =	simm.s32 $0x1  }
0x4f: {  	_ =	swait.ge [sflag:s4], $0x4000;
	s19 =	simm.s32 @!p0 $0x0  }
0x50: {  	[sflag:s4] =	ssyncset.done $0x0;
	s20 =	sshll.u32 s19, $0xE  }
0x51: {  	[sflag:s4] =	ssyncadd.s32 $0xFFFFC000;
	s20 =	sor.u32 $0x40, s20  }
0x52: {  	s19 =	smul.u32 $0x10200, s19;
	v0 =	vld [tilespmem:s20+$0x30]  }
0x53: {  	v1 =	vld [tilespmem:s20+$0xFFFFFFD0]  }
0x54: {  	s19 =	sshrl.u32 s19, $0x2;
	v5 =	vld [tilespmem:s20+$0xFFFFFFE0]  }
0x55: {  	v6 =	vld [tilespmem:s20+$0xFFFFFFF0];
	s22 =	sor.u32 $0x8000, s19  }
0x56: {  	s31 =	sand.u32 $0x1, s15;
	v4 =	vld [tilespmem:s20+$0x0];
	s21 =	sadd.s32 $0x0, s22  }
0x57: {  	v3 =	vld [tilespmem:s20+$0x10];
	s19 =	smul.u32 $0x10200, s31;
	[tilespmem:s21+$0x3870 ss:$0x81] =	vst.msk $0xffff, v0  }
0x58: {  	v2 =	vld [tilespmem:s20+$0x20];
	[tilespmem:s21+$0x810 ss:$0x81] =	vst.msk $0xffff, v1  }
0x59: {  	s19 =	sshrl.u32 s19, $0x2;
	v1 =	vld [tilespmem:s20+$0xFFFFFFC0];
	[tilespmem:s21+$0x1020 ss:$0x81] =	vst.msk $0xffff, v5;
	s20 =	sadd.s32 $0x80, s20  }
0x5a: {  	s23 =	simm.s32 $0x4;
	s24 =	simm.s32 $0x8;
	s19 =	sor.u32 $0x8000, s19;
	[tilespmem:s21+$0x1830 ss:$0x81] =	vst.msk $0xffff, v6;
	v0 =	vld [tilespmem:s20+$0x30]  }
.LBB1_3:
0x5b: {  	p1 =	sne.s32 s24, $0x1FC;
	v5 =	vld [tilespmem:s20+$0xFFFFFFD0];
	[tilespmem:s21+$0x2040 ss:$0x81] =	vst.msk $0xffff, v4  }
0x5c: {  	v6 =	vld [tilespmem:s20+$0xFFFFFFE0];
	[tilespmem:s21+$0x2850 ss:$0x81] =	vst.msk $0xffff, v3  }
0x5d: {  	s25 =	sshra.s32 s23, $0x2;
	s23 =	smov.u32 s24;
	v7 =	vld [tilespmem:s20+$0xFFFFFFF0];
	[tilespmem:s21+$0x3060 ss:$0x81] =	vst.msk $0xffff, v2  }
.Ltmp3:
0x5e: {  	v4 =	vld [tilespmem:s20+$0x0];
	[tilespmem:s21+$0x0 ss:$0x81] =	vst.msk $0xffff, v1;
	s21 =	sadd.s32 s25, s22;
	(pc) =	sbr.rel @p1 .LBB1_3-.Ltmp3, $4  }
0x5f: {  	v3 =	vld [tilespmem:s20+$0x10];
	[tilespmem:s21+$0x3870 ss:$0x81] =	vst.msk $0xffff, v0  }
0x60: {  	[tilespmem:s21+$0x810 ss:$0x81] =	vst.msk $0xffff, v5;
	v2 =	vld [tilespmem:s20+$0x20]  }
0x61: {  	v1 =	vld [tilespmem:s20+$0xFFFFFFC0];
	[tilespmem:s21+$0x1020 ss:$0x81] =	vst.msk $0xffff, v6;
	s20 =	sadd.s32 $0x80, s20  }
0x62: {  	s24 =	sadd.s32 $0x4, s24;
	v0 =	vld [tilespmem:s20+$0x30];
	[tilespmem:s21+$0x1830 ss:$0x81] =	vst.msk $0xffff, v7  }
.Ltmp4:
0x63: {  	_ = 	snop;
	(pc) =	sbr.rel .LBB1_4-.Ltmp4, $1  }
0x64: {  	_ =	sdelay $0x3  }
.LBB1_6:
0x65: {  	_ =	sfence.sel $0x180000  }
0x66: {  	s2 =	simm.s32 $0x1;
	[bflag:$0x0] =	sbarrier.arrive $0xFFFF  }
0x67: {  	s31 =	simm.s32 $0x2;
	[sflag:s2] =	ssyncpa.u1 $0x1  }
0x68: {  	[sflag:s31] =	ssyncpa.u1 $0x1  }
0x69: {  	p0 =	sne.s32 s0, $0x0;
	_ =	strace $0x9000004A  }
0x6a: {  	s0 =	sadd.s32 @!p0 $0x100000, s1;
	[bflag:$0x2] =	sbarrier.arrive $0xFFFF  }
0x6b: {  	[sflag:s0] =	ssyncadd.tile.s32 @!p0 $0x1;
	_ =	shalt  }
.Lfunc_end1:
_tile_overlayer_lowered:
.L_overlay_start_2:
0x6c: {  	(tag) =	ssettag $0x2  }
0x6d: {  	s0 =	rddreg [dreg:$0x0];
	s2 =	stileid.u32  }
0x6e: {  	s1 =	rddreg [dreg:$0x1];
	p0 =	sne.s32 s2, $0x0  }
0x6f: {  	s3 =	rddreg [dreg:$0x2];
	[bflag:$0x3] =	sbarrier.arrive $0xFFFF;
	s2 =	simm.s32 @!p0 $0x1C01  }
0x70: {  	[timem:s3], [sflag:s2] =	dma.local @!p0 [hbm:s0], s1  }
0x71: {  	s0 =	simm.s32 @!p0 $0x1  }
0x72: {  	_ =	swait.ge @!p0 [sflag:s0], s1  }
0x73: {  	s1 =	ssub.s32 @!p0 $0x0, s1;
	[sflag:s0] =	ssyncset.done @!p0 $0x0  }
0x74: {  	[sflag:s0] =	ssyncadd.s32 @!p0 s1  }
0x75: {  	[bflag:$0x3] =	sbarrier.arrive $0xFFFF  }
0x76: {  	_ =	shalt  }

</sc_bundles>
